<compile_context>
chip_gen: v7x
topology: tpu7x:2x2x1
jax: 0.10.2.dev20260603
libtpu: 0.0.44.dev20260713+nightly
codegen_flags: <defaults>
</compile_context>

<pallas_src>
import jax
import jax.numpy as jnp
from jax import lax
from jax.experimental import pallas as pl
from jax.experimental.pallas import tpu as pltpu
from jax.experimental.pallas import tpu_sc as plsc

N_TOP = 100000
N_CLS = 128
B = 16384

NUM_CORES = 2
NUM_SUBCORES = 16
NUM_WORKERS = NUM_CORES * NUM_SUBCORES
LANES = 16
CHUNK = 128
ROWS_PER_W = B // NUM_WORKERS
N_CHUNKS = ROWS_PER_W // CHUNK


def _calib_body(logits_hbm, topics_hbm, loga_hbm, b_hbm, out_hbm,
                idx_v, scale_v, bscale_v,
                rows0, rows1, rows2, rows3, logits0, logits1,
                sem_r0, sem_r1, sem_r2, sem_r3,
                sem_s0, sem_s1, sem_s2, sem_s3,
                sem_l0, sem_l1, sem_o0, sem_o1, sem_o2, sem_o3):
    wid = lax.axis_index("s") * NUM_CORES + lax.axis_index("c")
    base = wid * ROWS_PER_W

    rows = (rows0, rows1, rows2, rows3)
    logits_b = (logits0, logits1)
    sem_r = (sem_r0, sem_r1, sem_r2, sem_r3)
    sem_s = (sem_s0, sem_s1, sem_s2, sem_s3)
    sem_l = (sem_l0, sem_l1)
    sem_o = (sem_o0, sem_o1, sem_o2, sem_o3)

    def off(c):
        return pl.ds(pl.multiple_of(base + c * CHUNK, CHUNK), CHUNK)

    def issue_rows(c):
        return pltpu.async_copy(b_hbm.at[idx_v.at[pl.ds(c * CHUNK, CHUNK)]],
                                rows[c], sem_r[c])

    def issue_scale(c):
        return pltpu.async_copy(loga_hbm.at[idx_v.at[pl.ds(c * CHUNK, CHUNK)]],
                                scale_v.at[pl.ds(c * CHUNK, CHUNK)], sem_s[c])

    def issue_logits(c, p):
        return pltpu.async_copy(logits_hbm.at[off(c)], logits_b[p], sem_l[p])

    pltpu.sync_copy(topics_hbm.at[pl.ds(pl.multiple_of(base, CHUNK), CHUNK)],
                    idx_v.at[pl.ds(0, CHUNK)])
    rows_cp = [None] * N_CHUNKS
    scale_cp = [None] * N_CHUNKS
    logits_cp = [None] * N_CHUNKS
    rows_cp[0] = issue_rows(0)
    scale_cp[0] = issue_scale(0)
    logits_cp[0] = issue_logits(0, 0)
    pltpu.sync_copy(topics_hbm.at[pl.ds(pl.multiple_of(base + CHUNK, CHUNK),
                                        ROWS_PER_W - CHUNK)],
                    idx_v.at[pl.ds(CHUNK, ROWS_PER_W - CHUNK)])
    for c in range(1, N_CHUNKS):
        rows_cp[c] = issue_rows(c)
        scale_cp[c] = issue_scale(c)
    logits_cp[1] = issue_logits(1, 1)

    out_cp = [None] * N_CHUNKS
    for c in range(N_CHUNKS):
        p = c % 2
        scale_cp[c].wait()

        def bcast_body(g, _, c=c):
            sv = jnp.exp(scale_v[pl.ds(c * CHUNK + g * LANES, LANES)])
            for rr in range(LANES):
                bscale_v[g * LANES + rr, :] = jnp.broadcast_to(sv[rr], (LANES,))
            return 0

        lax.fori_loop(0, CHUNK // LANES, bcast_body, 0)
        rows_cp[c].wait()
        logits_cp[c].wait()

        def row_body(i, _, c=c, p=p):
            bs = bscale_v[i, :]
            for k in range(N_CLS // LANES):
                sl = pl.ds(k * LANES, LANES)
                plsc.addupdate(rows[c].at[i, sl], logits_b[p][i, sl] * bs)
            return 0

        lax.fori_loop(0, CHUNK, row_body, 0)
        out_cp[c] = pltpu.async_copy(rows[c], out_hbm.at[off(c)], sem_o[c])
        if c + 2 < N_CHUNKS:
            logits_cp[c + 2] = issue_logits(c + 2, p)

    for c in range(N_CHUNKS):
        out_cp[c].wait()


@jax.jit
def kernel(logits, topics, loga, b):
    topics = topics.astype(jnp.int32)
    run = pl.kernel(
        _calib_body,
        out_type=jax.ShapeDtypeStruct((B, N_CLS), jnp.float32),
        mesh=plsc.VectorSubcoreMesh(core_axis_name="c", subcore_axis_name="s"),
        scratch_types=[
            pltpu.VMEM((ROWS_PER_W,), jnp.int32),
            pltpu.VMEM((ROWS_PER_W,), jnp.float32),
            pltpu.VMEM((CHUNK, LANES), jnp.float32),
        ] + [pltpu.VMEM((CHUNK, N_CLS), jnp.float32)] * 6
          + [pltpu.SemaphoreType.DMA] * 14,
    )
    return run(logits, topics, loga, b)

# --- scband reference (transcript-rebuilt; emitter-appended) ---
"""Pipeline reference for scband-torch-calibrator-59373627900469 (READ-ONLY COPY).

The authoritative reference and input builder live on the scoring server;
editing this copy changes nothing except your own understanding.
"""

import jax, jax.numpy as jnp
import numpy as np

N_TOPICS = 100000
N_CLASSES = 128
BATCH = 16384

def setup_inputs(seed: int = 0) -> dict:
    key = jax.random.key(seed)
    k1, k2, k3, k4 = jax.random.split(key, 4)
    logits = jax.random.normal(k1, (BATCH, N_CLASSES), dtype=jnp.float32)
    topics = jax.random.randint(k2, (BATCH,), 0, N_TOPICS, dtype=jnp.int64 if jax.config.jax_enable_x64 else jnp.int32)
    # learned parameters: share_a=False -> loga[n_topics]; share_b=False -> b[n_topics, n_classes]
    loga = jnp.zeros((N_TOPICS,), dtype=jnp.float32)
    b = jnp.zeros((N_TOPICS, N_CLASSES), dtype=jnp.float32)
    return {"logits": logits, "topics": topics, "loga": loga, "b": b}

def reference(logits, topics, loga, b):
    # share_a = False: scales = exp(loga)[topics].unsqueeze(1)
    scales = jnp.take(jnp.exp(loga), topics, axis=0)[:, None]
    # share_b = False: b_per = b[topics]
    b_per = jnp.take(b, topics, axis=0)
    # shift_then_scale = False: logits * scales + b_per
    return logits * scales + b_per

if __name__ == "__main__":
    import jax
    _d = setup_inputs()
    print(jax.jit(kernel)(*tuple(_d.values())))

</pallas_src>

<mosaic_0001>
#map = affine_map<(d0, d1) -> (0, 0)>
#map1 = affine_map<(d0, d1) -> (0)>
module attributes {stable_mosaic.version = 14 : i64} {
  func.func @_calib_body(%arg0: i32, %arg1: i32, %arg2: memref<16384x128xf32, #tpu.memory_space<hbm>>, %arg3: memref<16384xi32, #tpu.memory_space<hbm>>, %arg4: memref<100000xf32, #tpu.memory_space<hbm>>, %arg5: memref<100000x128xf32, #tpu.memory_space<hbm>>, %arg6: memref<16384x128xf32, #tpu.memory_space<hbm>>, %arg7: memref<512xi32, #tpu.memory_space<vmem>>, %arg8: memref<512xf32, #tpu.memory_space<vmem>>, %arg9: memref<128x16xf32, #tpu.memory_space<vmem>>, %arg10: memref<128x128xf32, #tpu.memory_space<vmem>>, %arg11: memref<128x128xf32, #tpu.memory_space<vmem>>, %arg12: memref<128x128xf32, #tpu.memory_space<vmem>>, %arg13: memref<128x128xf32, #tpu.memory_space<vmem>>, %arg14: memref<128x128xf32, #tpu.memory_space<vmem>>, %arg15: memref<128x128xf32, #tpu.memory_space<vmem>>, %arg16: memref<!tpu.dma_semaphore, #tpu.memory_space<semaphore_mem>>, %arg17: memref<!tpu.dma_semaphore, #tpu.memory_space<semaphore_mem>>, %arg18: memref<!tpu.dma_semaphore, #tpu.memory_space<semaphore_mem>>, %arg19: memref<!tpu.dma_semaphore, #tpu.memory_space<semaphore_mem>>, %arg20: memref<!tpu.dma_semaphore, #tpu.memory_space<semaphore_mem>>, %arg21: memref<!tpu.dma_semaphore, #tpu.memory_space<semaphore_mem>>, %arg22: memref<!tpu.dma_semaphore, #tpu.memory_space<semaphore_mem>>, %arg23: memref<!tpu.dma_semaphore, #tpu.memory_space<semaphore_mem>>, %arg24: memref<!tpu.dma_semaphore, #tpu.memory_space<semaphore_mem>>, %arg25: memref<!tpu.dma_semaphore, #tpu.memory_space<semaphore_mem>>, %arg26: memref<!tpu.dma_semaphore, #tpu.memory_space<semaphore_mem>>, %arg27: memref<!tpu.dma_semaphore, #tpu.memory_space<semaphore_mem>>, %arg28: memref<!tpu.dma_semaphore, #tpu.memory_space<semaphore_mem>>, %arg29: memref<!tpu.dma_semaphore, #tpu.memory_space<semaphore_mem>>) attributes {dimension_semantics = [#tpu.dimension_semantics<core_parallel>, #tpu.dimension_semantics<subcore_parallel>], iteration_bounds = array<i64: 2, 16>, scalar_prefetch = 0 : i64, scratch_operands = 23 : i64, tpu.core_type = #tpu.core_type<sc_vector_subcore>, window_params = [{transform_indices = #map}, {transform_indices = #map1}, {transform_indices = #map1}, {transform_indices = #map}, {transform_indices = #map}]} {
    %mul3A = arith.constant 2 : i32
    %mul3A_0 = arith.muli %arg1, %mul3A : i32
    %add3A = arith.addi %mul3A_0, %arg0 : i32
    %mul3A_1 = arith.constant 512 : i32
    %mul3A_2 = arith.muli %add3A, %mul3A_1 : i32
    %multiple_of3A = tpu.assume_multiple %mul3A_2, 128 : i32
    "tpu.region"() ({
      %run_scoped3A = tpu.sem_alloc : memref<!tpu.dma_semaphore, #tpu.memory_space<semaphore_mem>>
      %dma_start3A_235 = arith.constant 0 : i32
      %dma_start3A_236 = tpu.memref_slice %arg7[%dma_start3A_235] : memref<512xi32, #tpu.memory_space<vmem>> -> memref<128xi32, #tpu.memory_space<vmem>>
      %dma_start3A_237 = tpu.memref_slice %arg3[%multiple_of3A] : memref<16384xi32, #tpu.memory_space<hbm>> -> memref<128xi32, #tpu.memory_space<hbm>>
      %dma_start3A_238 = arith.constant 0 : i32
      %dma_start3A_239 = tpu.memref_slice %arg7[%dma_start3A_238] : memref<512xi32, #tpu.memory_space<vmem>> -> memref<128xi32, #tpu.memory_space<vmem>>
      %dma_start3A_240 = tpu.memref_slice %arg3[%multiple_of3A] : memref<16384xi32, #tpu.memory_space<hbm>> -> memref<128xi32, #tpu.memory_space<hbm>>
      tpu.enqueue_dma source(%dma_start3A_240 : memref<128xi32, #tpu.memory_space<hbm>>) target(%dma_start3A_239 : memref<128xi32, #tpu.memory_space<vmem>>) target_semaphore(%run_scoped3A : memref<!tpu.dma_semaphore, #tpu.memory_space<semaphore_mem>>)
      %dma_wait3A_241 = arith.constant 0 : i32
      %dma_wait3A_242 = tpu.memref_slice %arg7[%dma_wait3A_241] : memref<512xi32, #tpu.memory_space<vmem>> -> memref<128xi32, #tpu.memory_space<vmem>>
      %dma_wait3A_243 = tpu.memref_slice %arg3[%multiple_of3A] : memref<16384xi32, #tpu.memory_space<hbm>> -> memref<128xi32, #tpu.memory_space<hbm>>
      %dma_wait3A_244 = arith.constant 0 : i32
      %dma_wait3A_245 = tpu.memref_slice %arg7[%dma_wait3A_244] : memref<512xi32, #tpu.memory_space<vmem>> -> memref<128xi32, #tpu.memory_space<vmem>>
      %dma_wait3A_246 = tpu.memref_slice %arg3[%multiple_of3A] : memref<16384xi32, #tpu.memory_space<hbm>> -> memref<128xi32, #tpu.memory_space<hbm>>
      tpu.wait_dma2 semaphore(%run_scoped3A : memref<!tpu.dma_semaphore, #tpu.memory_space<semaphore_mem>>) src(%dma_wait3A_246 : memref<128xi32, #tpu.memory_space<hbm>>) dst(%dma_wait3A_245 : memref<128xi32, #tpu.memory_space<vmem>>)
      tpu.yield
    }) : () -> ()
    %dma_start3A = arith.constant 0 : i32
    %dma_start3A_3 = tpu.memref_slice %arg7[%dma_start3A] : memref<512xi32, #tpu.memory_space<vmem>> -> memref<128xi32, #tpu.memory_space<vmem>>
    %dma_start3A_4 = arith.constant 0 : i32
    %dma_start3A_5 = arith.constant 0 : i32
    %dma_start3A_6 = tpu.memref_slice %arg5[%dma_start3A_4, %dma_start3A_5] : memref<100000x128xf32, #tpu.memory_space<hbm>> -> memref<100000x128xf32, #tpu.memory_space<hbm>>
    tpu.enqueue_indirect_dma source(%dma_start3A_6 : memref<100000x128xf32, #tpu.memory_space<hbm>>) target(%arg10 : memref<128x128xf32, #tpu.memory_space<vmem>>) offsets(%dma_start3A_3 : memref<128xi32, #tpu.memory_space<vmem>>) semaphore(%arg16 : memref<!tpu.dma_semaphore, #tpu.memory_space<semaphore_mem>>)
    %dma_start3A_7 = arith.constant 0 : i32
    %dma_start3A_8 = tpu.memref_slice %arg8[%dma_start3A_7] : memref<512xf32, #tpu.memory_space<vmem>> -> memref<128xf32, #tpu.memory_space<vmem>>
    %dma_start3A_9 = arith.constant 0 : i32
    %dma_start3A_10 = tpu.memref_slice %arg7[%dma_start3A_9] : memref<512xi32, #tpu.memory_space<vmem>> -> memref<128xi32, #tpu.memory_space<vmem>>
    %dma_start3A_11 = arith.constant 0 : i32
    %dma_start3A_12 = tpu.memref_slice %arg4[%dma_start3A_11] : memref<100000xf32, #tpu.memory_space<hbm>> -> memref<100000xf32, #tpu.memory_space<hbm>>
    tpu.enqueue_indirect_dma source(%dma_start3A_12 : memref<100000xf32, #tpu.memory_space<hbm>>) target(%dma_start3A_8 : memref<128xf32, #tpu.memory_space<vmem>>) offsets(%dma_start3A_10 : memref<128xi32, #tpu.memory_space<vmem>>) semaphore(%arg20 : memref<!tpu.dma_semaphore, #tpu.memory_space<semaphore_mem>>)
    %add3A_13 = arith.constant 0 : i32
    %add3A_14 = arith.addi %mul3A_2, %add3A_13 : i32
    %multiple_of3A_15 = tpu.assume_multiple %add3A_14, 128 : i32
    %dma_start3A_16 = arith.constant 0 : i32
    %dma_start3A_17 = tpu.memref_slice %arg2[%multiple_of3A_15, %dma_start3A_16] : memref<16384x128xf32, #tpu.memory_space<hbm>> -> memref<128x128xf32, #tpu.memory_space<hbm>>
    %dma_start3A_18 = arith.constant 0 : i32
    %dma_start3A_19 = tpu.memref_slice %arg2[%multiple_of3A_15, %dma_start3A_18] : memref<16384x128xf32, #tpu.memory_space<hbm>> -> memref<128x128xf32, #tpu.memory_space<hbm>>
    tpu.enqueue_dma source(%dma_start3A_19 : memref<128x128xf32, #tpu.memory_space<hbm>>) target(%arg14 : memref<128x128xf32, #tpu.memory_space<vmem>>) target_semaphore(%arg24 : memref<!tpu.dma_semaphore, #tpu.memory_space<semaphore_mem>>)
    %add3A_20 = arith.constant 128 : i32
    %add3A_21 = arith.addi %mul3A_2, %add3A_20 : i32
    %multiple_of3A_22 = tpu.assume_multiple %add3A_21, 128 : i32
    "tpu.region"() ({
      %run_scoped3A = tpu.sem_alloc : memref<!tpu.dma_semaphore, #tpu.memory_space<semaphore_mem>>
      %dma_start3A_235 = arith.constant 128 : i32
      %dma_start3A_236 = tpu.memref_slice %arg7[%dma_start3A_235] : memref<512xi32, #tpu.memory_space<vmem>> -> memref<384xi32, #tpu.memory_space<vmem>>
      %dma_start3A_237 = tpu.memref_slice %arg3[%multiple_of3A_22] : memref<16384xi32, #tpu.memory_space<hbm>> -> memref<384xi32, #tpu.memory_space<hbm>>
      %dma_start3A_238 = arith.constant 128 : i32
      %dma_start3A_239 = tpu.memref_slice %arg7[%dma_start3A_238] : memref<512xi32, #tpu.memory_space<vmem>> -> memref<384xi32, #tpu.memory_space<vmem>>
      %dma_start3A_240 = tpu.memref_slice %arg3[%multiple_of3A_22] : memref<16384xi32, #tpu.memory_space<hbm>> -> memref<384xi32, #tpu.memory_space<hbm>>
      tpu.enqueue_dma source(%dma_start3A_240 : memref<384xi32, #tpu.memory_space<hbm>>) target(%dma_start3A_239 : memref<384xi32, #tpu.memory_space<vmem>>) target_semaphore(%run_scoped3A : memref<!tpu.dma_semaphore, #tpu.memory_space<semaphore_mem>>)
      %dma_wait3A_241 = arith.constant 128 : i32
      %dma_wait3A_242 = tpu.memref_slice %arg7[%dma_wait3A_241] : memref<512xi32, #tpu.memory_space<vmem>> -> memref<384xi32, #tpu.memory_space<vmem>>
      %dma_wait3A_243 = tpu.memref_slice %arg3[%multiple_of3A_22] : memref<16384xi32, #tpu.memory_space<hbm>> -> memref<384xi32, #tpu.memory_space<hbm>>
      %dma_wait3A_244 = arith.constant 128 : i32
      %dma_wait3A_245 = tpu.memref_slice %arg7[%dma_wait3A_244] : memref<512xi32, #tpu.memory_space<vmem>> -> memref<384xi32, #tpu.memory_space<vmem>>
      %dma_wait3A_246 = tpu.memref_slice %arg3[%multiple_of3A_22] : memref<16384xi32, #tpu.memory_space<hbm>> -> memref<384xi32, #tpu.memory_space<hbm>>
      tpu.wait_dma2 semaphore(%run_scoped3A : memref<!tpu.dma_semaphore, #tpu.memory_space<semaphore_mem>>) src(%dma_wait3A_246 : memref<384xi32, #tpu.memory_space<hbm>>) dst(%dma_wait3A_245 : memref<384xi32, #tpu.memory_space<vmem>>)
      tpu.yield
    }) : () -> ()
    %dma_start3A_23 = arith.constant 128 : i32
    %dma_start3A_24 = tpu.memref_slice %arg7[%dma_start3A_23] : memref<512xi32, #tpu.memory_space<vmem>> -> memref<128xi32, #tpu.memory_space<vmem>>
    %dma_start3A_25 = arith.constant 0 : i32
    %dma_start3A_26 = arith.constant 0 : i32
    %dma_start3A_27 = tpu.memref_slice %arg5[%dma_start3A_25, %dma_start3A_26] : memref<100000x128xf32, #tpu.memory_space<hbm>> -> memref<100000x128xf32, #tpu.memory_space<hbm>>
    tpu.enqueue_indirect_dma source(%dma_start3A_27 : memref<100000x128xf32, #tpu.memory_space<hbm>>) target(%arg11 : memref<128x128xf32, #tpu.memory_space<vmem>>) offsets(%dma_start3A_24 : memref<128xi32, #tpu.memory_space<vmem>>) semaphore(%arg17 : memref<!tpu.dma_semaphore, #tpu.memory_space<semaphore_mem>>)
    %dma_start3A_28 = arith.constant 128 : i32
    %dma_start3A_29 = tpu.memref_slice %arg8[%dma_start3A_28] : memref<512xf32, #tpu.memory_space<vmem>> -> memref<128xf32, #tpu.memory_space<vmem>>
    %dma_start3A_30 = arith.constant 128 : i32
    %dma_start3A_31 = tpu.memref_slice %arg7[%dma_start3A_30] : memref<512xi32, #tpu.memory_space<vmem>> -> memref<128xi32, #tpu.memory_space<vmem>>
    %dma_start3A_32 = arith.constant 0 : i32
    %dma_start3A_33 = tpu.memref_slice %arg4[%dma_start3A_32] : memref<100000xf32, #tpu.memory_space<hbm>> -> memref<100000xf32, #tpu.memory_space<hbm>>
    tpu.enqueue_indirect_dma source(%dma_start3A_33 : memref<100000xf32, #tpu.memory_space<hbm>>) target(%dma_start3A_29 : memref<128xf32, #tpu.memory_space<vmem>>) offsets(%dma_start3A_31 : memref<128xi32, #tpu.memory_space<vmem>>) semaphore(%arg21 : memref<!tpu.dma_semaphore, #tpu.memory_space<semaphore_mem>>)
    %dma_start3A_34 = arith.constant 256 : i32
    %dma_start3A_35 = tpu.memref_slice %arg7[%dma_start3A_34] : memref<512xi32, #tpu.memory_space<vmem>> -> memref<128xi32, #tpu.memory_space<vmem>>
    %dma_start3A_36 = arith.constant 0 : i32
    %dma_start3A_37 = arith.constant 0 : i32
    %dma_start3A_38 = tpu.memref_slice %arg5[%dma_start3A_36, %dma_start3A_37] : memref<100000x128xf32, #tpu.memory_space<hbm>> -> memref<100000x128xf32, #tpu.memory_space<hbm>>
    tpu.enqueue_indirect_dma source(%dma_start3A_38 : memref<100000x128xf32, #tpu.memory_space<hbm>>) target(%arg12 : memref<128x128xf32, #tpu.memory_space<vmem>>) offsets(%dma_start3A_35 : memref<128xi32, #tpu.memory_space<vmem>>) semaphore(%arg18 : memref<!tpu.dma_semaphore, #tpu.memory_space<semaphore_mem>>)
    %dma_start3A_39 = arith.constant 256 : i32
    %dma_start3A_40 = tpu.memref_slice %arg8[%dma_start3A_39] : memref<512xf32, #tpu.memory_space<vmem>> -> memref<128xf32, #tpu.memory_space<vmem>>
    %dma_start3A_41 = arith.constant 256 : i32
    %dma_start3A_42 = tpu.memref_slice %arg7[%dma_start3A_41] : memref<512xi32, #tpu.memory_space<vmem>> -> memref<128xi32, #tpu.memory_space<vmem>>
    %dma_start3A_43 = arith.constant 0 : i32
    %dma_start3A_44 = tpu.memref_slice %arg4[%dma_start3A_43] : memref<100000xf32, #tpu.memory_space<hbm>> -> memref<100000xf32, #tpu.memory_space<hbm>>
    tpu.enqueue_indirect_dma source(%dma_start3A_44 : memref<100000xf32, #tpu.memory_space<hbm>>) target(%dma_start3A_40 : memref<128xf32, #tpu.memory_space<vmem>>) offsets(%dma_start3A_42 : memref<128xi32, #tpu.memory_space<vmem>>) semaphore(%arg22 : memref<!tpu.dma_semaphore, #tpu.memory_space<semaphore_mem>>)
    %dma_start3A_45 = arith.constant 384 : i32
    %dma_start3A_46 = tpu.memref_slice %arg7[%dma_start3A_45] : memref<512xi32, #tpu.memory_space<vmem>> -> memref<128xi32, #tpu.memory_space<vmem>>
    %dma_start3A_47 = arith.constant 0 : i32
    %dma_start3A_48 = arith.constant 0 : i32
    %dma_start3A_49 = tpu.memref_slice %arg5[%dma_start3A_47, %dma_start3A_48] : memref<100000x128xf32, #tpu.memory_space<hbm>> -> memref<100000x128xf32, #tpu.memory_space<hbm>>
    tpu.enqueue_indirect_dma source(%dma_start3A_49 : memref<100000x128xf32, #tpu.memory_space<hbm>>) target(%arg13 : memref<128x128xf32, #tpu.memory_space<vmem>>) offsets(%dma_start3A_46 : memref<128xi32, #tpu.memory_space<vmem>>) semaphore(%arg19 : memref<!tpu.dma_semaphore, #tpu.memory_space<semaphore_mem>>)
    %dma_start3A_50 = arith.constant 384 : i32
    %dma_start3A_51 = tpu.memref_slice %arg8[%dma_start3A_50] : memref<512xf32, #tpu.memory_space<vmem>> -> memref<128xf32, #tpu.memory_space<vmem>>
    %dma_start3A_52 = arith.constant 384 : i32
    %dma_start3A_53 = tpu.memref_slice %arg7[%dma_start3A_52] : memref<512xi32, #tpu.memory_space<vmem>> -> memref<128xi32, #tpu.memory_space<vmem>>
    %dma_start3A_54 = arith.constant 0 : i32
    %dma_start3A_55 = tpu.memref_slice %arg4[%dma_start3A_54] : memref<100000xf32, #tpu.memory_space<hbm>> -> memref<100000xf32, #tpu.memory_space<hbm>>
    tpu.enqueue_indirect_dma source(%dma_start3A_55 : memref<100000xf32, #tpu.memory_space<hbm>>) target(%dma_start3A_51 : memref<128xf32, #tpu.memory_space<vmem>>) offsets(%dma_start3A_53 : memref<128xi32, #tpu.memory_space<vmem>>) semaphore(%arg23 : memref<!tpu.dma_semaphore, #tpu.memory_space<semaphore_mem>>)
    %add3A_56 = arith.constant 128 : i32
    %add3A_57 = arith.addi %mul3A_2, %add3A_56 : i32
    %multiple_of3A_58 = tpu.assume_multiple %add3A_57, 128 : i32
    %dma_start3A_59 = arith.constant 0 : i32
    %dma_start3A_60 = tpu.memref_slice %arg2[%multiple_of3A_58, %dma_start3A_59] : memref<16384x128xf32, #tpu.memory_space<hbm>> -> memref<128x128xf32, #tpu.memory_space<hbm>>
    %dma_start3A_61 = arith.constant 0 : i32
    %dma_start3A_62 = tpu.memref_slice %arg2[%multiple_of3A_58, %dma_start3A_61] : memref<16384x128xf32, #tpu.memory_space<hbm>> -> memref<128x128xf32, #tpu.memory_space<hbm>>
    tpu.enqueue_dma source(%dma_start3A_62 : memref<128x128xf32, #tpu.memory_space<hbm>>) target(%arg15 : memref<128x128xf32, #tpu.memory_space<vmem>>) target_semaphore(%arg25 : memref<!tpu.dma_semaphore, #tpu.memory_space<semaphore_mem>>)
    %dma_wait3A = arith.constant 0 : i32
    %dma_wait3A_63 = tpu.memref_slice %arg8[%dma_wait3A] : memref<512xf32, #tpu.memory_space<vmem>> -> memref<128xf32, #tpu.memory_space<vmem>>
    %dma_wait3A_64 = arith.constant 0 : i32
    %dma_wait3A_65 = tpu.memref_slice %arg7[%dma_wait3A_64] : memref<512xi32, #tpu.memory_space<vmem>> -> memref<128xi32, #tpu.memory_space<vmem>>
    %dma_wait3A_66 = arith.constant 0 : i32
    %dma_wait3A_67 = tpu.memref_slice %arg4[%dma_wait3A_66] : memref<100000xf32, #tpu.memory_space<hbm>> -> memref<100000xf32, #tpu.memory_space<hbm>>
    tpu.wait_indirect_dma semaphore(%arg20 : memref<!tpu.dma_semaphore, #tpu.memory_space<semaphore_mem>>) src(%dma_wait3A_67 : memref<100000xf32, #tpu.memory_space<hbm>>) dst(%dma_wait3A_63 : memref<128xf32, #tpu.memory_space<vmem>>)
    %scan3A = arith.constant 0 : i32
    %scan3A_68 = arith.constant 0 : i32
    %scan3A_69 = arith.constant 8 : i32
    %scan3A_70 = arith.addi %scan3A_68, %scan3A_69 : i32
    %scan3A_71 = arith.constant 1 : i32
    %scan3A_72 = scf.for %scan3A_235 = %scan3A_68 to %scan3A_70 step %scan3A_71 iter_args(%scan3A_236 = %scan3A) -> (i32)  : i32 {
      %mul3A_237 = arith.constant 16 : i32
      %mul3A_238 = arith.muli %scan3A_235, %mul3A_237 : i32
      %add3A_239 = arith.constant 0 : i32
      %add3A_240 = arith.addi %add3A_239, %mul3A_238 : i32
      %get3A = arith.index_cast %add3A_240 : i32 to index
      %get3A_241 = tpu.vector_load %arg8[%get3A] {strides = array<i32>} : memref<512xf32, #tpu.memory_space<vmem>>, vector<16xf32>,
      %get3A_242 = vector.shape_cast %get3A_241 : vector<16xf32> to vector<16xf32>
      %exp3A = math.exp %get3A_242 : vector<16xf32>
      %slice3A = vector.extract_strided_slice %exp3A {offsets = [0], sizes = [1], strides = [1]} : vector<16xf32> to vector<1xf32>
      %squeeze3A = vector.extract %slice3A[0] : f32 from vector<1xf32>
      %broadcast_in_dim3A = vector.broadcast %squeeze3A : f32 to vector<16xf32>
      %mul3A_243 = arith.constant 16 : i32
      %mul3A_244 = arith.muli %scan3A_235, %mul3A_243 : i32
      %add3A_245 = arith.constant 0 : i32
      %add3A_246 = arith.addi %mul3A_244, %add3A_245 : i32
      %swap3A = arith.index_cast %add3A_246 : i32 to index
      %swap3A_247 = arith.constant 0 : index
      %swap3A_248 = tpu.vector_load %arg9[%swap3A, %swap3A_247] {strides = array<i32>} : memref<128x16xf32, #tpu.memory_space<vmem>>, vector<1x16xf32>,
      %swap3A_249 = vector.shape_cast %swap3A_248 : vector<1x16xf32> to vector<16xf32>
      %swap3A_250 = vector.shape_cast %broadcast_in_dim3A : vector<16xf32> to vector<1x16xf32>
      tpu.vector_store %arg9[%swap3A, %swap3A_247], %swap3A_250 {strides = array<i32>} : memref<128x16xf32, #tpu.memory_space<vmem>>, vector<1x16xf32>,
      %slice3A_251 = vector.extract_strided_slice %exp3A {offsets = [1], sizes = [1], strides = [1]} : vector<16xf32> to vector<1xf32>
      %squeeze3A_252 = vector.extract %slice3A_251[0] : f32 from vector<1xf32>
      %broadcast_in_dim3A_253 = vector.broadcast %squeeze3A_252 : f32 to vector<16xf32>
      %mul3A_254 = arith.constant 16 : i32
      %mul3A_255 = arith.muli %scan3A_235, %mul3A_254 : i32
      %add3A_256 = arith.constant 1 : i32
      %add3A_257 = arith.addi %mul3A_255, %add3A_256 : i32
      %swap3A_258 = arith.index_cast %add3A_257 : i32 to index
      %swap3A_259 = arith.constant 0 : index
      %swap3A_260 = tpu.vector_load %arg9[%swap3A_258, %swap3A_259] {strides = array<i32>} : memref<128x16xf32, #tpu.memory_space<vmem>>, vector<1x16xf32>,
      %swap3A_261 = vector.shape_cast %swap3A_260 : vector<1x16xf32> to vector<16xf32>
      %swap3A_262 = vector.shape_cast %broadcast_in_dim3A_253 : vector<16xf32> to vector<1x16xf32>
      tpu.vector_store %arg9[%swap3A_258, %swap3A_259], %swap3A_262 {strides = array<i32>} : memref<128x16xf32, #tpu.memory_space<vmem>>, vector<1x16xf32>,
      %slice3A_263 = vector.extract_strided_slice %exp3A {offsets = [2], sizes = [1], strides = [1]} : vector<16xf32> to vector<1xf32>
      %squeeze3A_264 = vector.extract %slice3A_263[0] : f32 from vector<1xf32>
      %broadcast_in_dim3A_265 = vector.broadcast %squeeze3A_264 : f32 to vector<16xf32>
      %mul3A_266 = arith.constant 16 : i32
      %mul3A_267 = arith.muli %scan3A_235, %mul3A_266 : i32
      %add3A_268 = arith.constant 2 : i32
      %add3A_269 = arith.addi %mul3A_267, %add3A_268 : i32
      %swap3A_270 = arith.index_cast %add3A_269 : i32 to index
      %swap3A_271 = arith.constant 0 : index
      %swap3A_272 = tpu.vector_load %arg9[%swap3A_270, %swap3A_271] {strides = array<i32>} : memref<128x16xf32, #tpu.memory_space<vmem>>, vector<1x16xf32>,
      %swap3A_273 = vector.shape_cast %swap3A_272 : vector<1x16xf32> to vector<16xf32>
      %swap3A_274 = vector.shape_cast %broadcast_in_dim3A_265 : vector<16xf32> to vector<1x16xf32>
      tpu.vector_store %arg9[%swap3A_270, %swap3A_271], %swap3A_274 {strides = array<i32>} : memref<128x16xf32, #tpu.memory_space<vmem>>, vector<1x16xf32>,
      %slice3A_275 = vector.extract_strided_slice %exp3A {offsets = [3], sizes = [1], strides = [1]} : vector<16xf32> to vector<1xf32>
      %squeeze3A_276 = vector.extract %slice3A_275[0] : f32 from vector<1xf32>
      %broadcast_in_dim3A_277 = vector.broadcast %squeeze3A_276 : f32 to vector<16xf32>
      %mul3A_278 = arith.constant 16 : i32
      %mul3A_279 = arith.muli %scan3A_235, %mul3A_278 : i32
      %add3A_280 = arith.constant 3 : i32
      %add3A_281 = arith.addi %mul3A_279, %add3A_280 : i32
      %swap3A_282 = arith.index_cast %add3A_281 : i32 to index
      %swap3A_283 = arith.constant 0 : index
      %swap3A_284 = tpu.vector_load %arg9[%swap3A_282, %swap3A_283] {strides = array<i32>} : memref<128x16xf32, #tpu.memory_space<vmem>>, vector<1x16xf32>,
      %swap3A_285 = vector.shape_cast %swap3A_284 : vector<1x16xf32> to vector<16xf32>
      %swap3A_286 = vector.shape_cast %broadcast_in_dim3A_277 : vector<16xf32> to vector<1x16xf32>
      tpu.vector_store %arg9[%swap3A_282, %swap3A_283], %swap3A_286 {strides = array<i32>} : memref<128x16xf32, #tpu.memory_space<vmem>>, vector<1x16xf32>,
      %slice3A_287 = vector.extract_strided_slice %exp3A {offsets = [4], sizes = [1], strides = [1]} : vector<16xf32> to vector<1xf32>
      %squeeze3A_288 = vector.extract %slice3A_287[0] : f32 from vector<1xf32>
      %broadcast_in_dim3A_289 = vector.broadcast %squeeze3A_288 : f32 to vector<16xf32>
      %mul3A_290 = arith.constant 16 : i32
      %mul3A_291 = arith.muli %scan3A_235, %mul3A_290 : i32
      %add3A_292 = arith.constant 4 : i32
      %add3A_293 = arith.addi %mul3A_291, %add3A_292 : i32
      %swap3A_294 = arith.index_cast %add3A_293 : i32 to index
      %swap3A_295 = arith.constant 0 : index
      %swap3A_296 = tpu.vector_load %arg9[%swap3A_294, %swap3A_295] {strides = array<i32>} : memref<128x16xf32, #tpu.memory_space<vmem>>, vector<1x16xf32>,
      %swap3A_297 = vector.shape_cast %swap3A_296 : vector<1x16xf32> to vector<16xf32>
      %swap3A_298 = vector.shape_cast %broadcast_in_dim3A_289 : vector<16xf32> to vector<1x16xf32>
      tpu.vector_store %arg9[%swap3A_294, %swap3A_295], %swap3A_298 {strides = array<i32>} : memref<128x16xf32, #tpu.memory_space<vmem>>, vector<1x16xf32>,
      %slice3A_299 = vector.extract_strided_slice %exp3A {offsets = [5], sizes = [1], strides = [1]} : vector<16xf32> to vector<1xf32>
      %squeeze3A_300 = vector.extract %slice3A_299[0] : f32 from vector<1xf32>
      %broadcast_in_dim3A_301 = vector.broadcast %squeeze3A_300 : f32 to vector<16xf32>
      %mul3A_302 = arith.constant 16 : i32
      %mul3A_303 = arith.muli %scan3A_235, %mul3A_302 : i32
      %add3A_304 = arith.constant 5 : i32
      %add3A_305 = arith.addi %mul3A_303, %add3A_304 : i32
      %swap3A_306 = arith.index_cast %add3A_305 : i32 to index
      %swap3A_307 = arith.constant 0 : index
      %swap3A_308 = tpu.vector_load %arg9[%swap3A_306, %swap3A_307] {strides = array<i32>} : memref<128x16xf32, #tpu.memory_space<vmem>>, vector<1x16xf32>,
      %swap3A_309 = vector.shape_cast %swap3A_308 : vector<1x16xf32> to vector<16xf32>
      %swap3A_310 = vector.shape_cast %broadcast_in_dim3A_301 : vector<16xf32> to vector<1x16xf32>
      tpu.vector_store %arg9[%swap3A_306, %swap3A_307], %swap3A_310 {strides = array<i32>} : memref<128x16xf32, #tpu.memory_space<vmem>>, vector<1x16xf32>,
      %slice3A_311 = vector.extract_strided_slice %exp3A {offsets = [6], sizes = [1], strides = [1]} : vector<16xf32> to vector<1xf32>
      %squeeze3A_312 = vector.extract %slice3A_311[0] : f32 from vector<1xf32>
      %broadcast_in_dim3A_313 = vector.broadcast %squeeze3A_312 : f32 to vector<16xf32>
      %mul3A_314 = arith.constant 16 : i32
      %mul3A_315 = arith.muli %scan3A_235, %mul3A_314 : i32
      %add3A_316 = arith.constant 6 : i32
      %add3A_317 = arith.addi %mul3A_315, %add3A_316 : i32
      %swap3A_318 = arith.index_cast %add3A_317 : i32 to index
      %swap3A_319 = arith.constant 0 : index
      %swap3A_320 = tpu.vector_load %arg9[%swap3A_318, %swap3A_319] {strides = array<i32>} : memref<128x16xf32, #tpu.memory_space<vmem>>, vector<1x16xf32>,
      %swap3A_321 = vector.shape_cast %swap3A_320 : vector<1x16xf32> to vector<16xf32>
      %swap3A_322 = vector.shape_cast %broadcast_in_dim3A_313 : vector<16xf32> to vector<1x16xf32>
      tpu.vector_store %arg9[%swap3A_318, %swap3A_319], %swap3A_322 {strides = array<i32>} : memref<128x16xf32, #tpu.memory_space<vmem>>, vector<1x16xf32>,
      %slice3A_323 = vector.extract_strided_slice %exp3A {offsets = [7], sizes = [1], strides = [1]} : vector<16xf32> to vector<1xf32>
      %squeeze3A_324 = vector.extract %slice3A_323[0] : f32 from vector<1xf32>
      %broadcast_in_dim3A_325 = vector.broadcast %squeeze3A_324 : f32 to vector<16xf32>
      %mul3A_326 = arith.constant 16 : i32
      %mul3A_327 = arith.muli %scan3A_235, %mul3A_326 : i32
      %add3A_328 = arith.constant 7 : i32
      %add3A_329 = arith.addi %mul3A_327, %add3A_328 : i32
      %swap3A_330 = arith.index_cast %add3A_329 : i32 to index
      %swap3A_331 = arith.constant 0 : index
      %swap3A_332 = tpu.vector_load %arg9[%swap3A_330, %swap3A_331] {strides = array<i32>} : memref<128x16xf32, #tpu.memory_space<vmem>>, vector<1x16xf32>,
      %swap3A_333 = vector.shape_cast %swap3A_332 : vector<1x16xf32> to vector<16xf32>
      %swap3A_334 = vector.shape_cast %broadcast_in_dim3A_325 : vector<16xf32> to vector<1x16xf32>
      tpu.vector_store %arg9[%swap3A_330, %swap3A_331], %swap3A_334 {strides = array<i32>} : memref<128x16xf32, #tpu.memory_space<vmem>>, vector<1x16xf32>,
      %slice3A_335 = vector.extract_strided_slice %exp3A {offsets = [8], sizes = [1], strides = [1]} : vector<16xf32> to vector<1xf32>
      %squeeze3A_336 = vector.extract %slice3A_335[0] : f32 from vector<1xf32>
      %broadcast_in_dim3A_337 = vector.broadcast %squeeze3A_336 : f32 to vector<16xf32>
      %mul3A_338 = arith.constant 16 : i32
      %mul3A_339 = arith.muli %scan3A_235, %mul3A_338 : i32
      %add3A_340 = arith.constant 8 : i32
      %add3A_341 = arith.addi %mul3A_339, %add3A_340 : i32
      %swap3A_342 = arith.index_cast %add3A_341 : i32 to index
      %swap3A_343 = arith.constant 0 : index
      %swap3A_344 = tpu.vector_load %arg9[%swap3A_342, %swap3A_343] {strides = array<i32>} : memref<128x16xf32, #tpu.memory_space<vmem>>, vector<1x16xf32>,
      %swap3A_345 = vector.shape_cast %swap3A_344 : vector<1x16xf32> to vector<16xf32>
      %swap3A_346 = vector.shape_cast %broadcast_in_dim3A_337 : vector<16xf32> to vector<1x16xf32>
      tpu.vector_store %arg9[%swap3A_342, %swap3A_343], %swap3A_346 {strides = array<i32>} : memref<128x16xf32, #tpu.memory_space<vmem>>, vector<1x16xf32>,
      %slice3A_347 = vector.extract_strided_slice %exp3A {offsets = [9], sizes = [1], strides = [1]} : vector<16xf32> to vector<1xf32>
      %squeeze3A_348 = vector.extract %slice3A_347[0] : f32 from vector<1xf32>
      %broadcast_in_dim3A_349 = vector.broadcast %squeeze3A_348 : f32 to vector<16xf32>
      %mul3A_350 = arith.constant 16 : i32
      %mul3A_351 = arith.muli %scan3A_235, %mul3A_350 : i32
      %add3A_352 = arith.constant 9 : i32
      %add3A_353 = arith.addi %mul3A_351, %add3A_352 : i32
      %swap3A_354 = arith.index_cast %add3A_353 : i32 to index
      %swap3A_355 = arith.constant 0 : index
      %swap3A_356 = tpu.vector_load %arg9[%swap3A_354, %swap3A_355] {strides = array<i32>} : memref<128x16xf32, #tpu.memory_space<vmem>>, vector<1x16xf32>,
      %swap3A_357 = vector.shape_cast %swap3A_356 : vector<1x16xf32> to vector<16xf32>
      %swap3A_358 = vector.shape_cast %broadcast_in_dim3A_349 : vector<16xf32> to vector<1x16xf32>
      tpu.vector_store %arg9[%swap3A_354, %swap3A_355], %swap3A_358 {strides = array<i32>} : memref<128x16xf32, #tpu.memory_space<vmem>>, vector<1x16xf32>,
      %slice3A_359 = vector.extract_strided_slice %exp3A {offsets = [10], sizes = [1], strides = [1]} : vector<16xf32> to vector<1xf32>
      %squeeze3A_360 = vector.extract %slice3A_359[0] : f32 from vector<1xf32>
      %broadcast_in_dim3A_361 = vector.broadcast %squeeze3A_360 : f32 to vector<16xf32>
      %mul3A_362 = arith.constant 16 : i32
      %mul3A_363 = arith.muli %scan3A_235, %mul3A_362 : i32
      %add3A_364 = arith.constant 10 : i32
      %add3A_365 = arith.addi %mul3A_363, %add3A_364 : i32
      %swap3A_366 = arith.index_cast %add3A_365 : i32 to index
      %swap3A_367 = arith.constant 0 : index
      %swap3A_368 = tpu.vector_load %arg9[%swap3A_366, %swap3A_367] {strides = array<i32>} : memref<128x16xf32, #tpu.memory_space<vmem>>, vector<1x16xf32>,
      %swap3A_369 = vector.shape_cast %swap3A_368 : vector<1x16xf32> to vector<16xf32>
      %swap3A_370 = vector.shape_cast %broadcast_in_dim3A_361 : vector<16xf32> to vector<1x16xf32>
      tpu.vector_store %arg9[%swap3A_366, %swap3A_367], %swap3A_370 {strides = array<i32>} : memref<128x16xf32, #tpu.memory_space<vmem>>, vector<1x16xf32>,
      %slice3A_371 = vector.extract_strided_slice %exp3A {offsets = [11], sizes = [1], strides = [1]} : vector<16xf32> to vector<1xf32>
      %squeeze3A_372 = vector.extract %slice3A_371[0] : f32 from vector<1xf32>
      %broadcast_in_dim3A_373 = vector.broadcast %squeeze3A_372 : f32 to vector<16xf32>
      %mul3A_374 = arith.constant 16 : i32
      %mul3A_375 = arith.muli %scan3A_235, %mul3A_374 : i32
      %add3A_376 = arith.constant 11 : i32
      %add3A_377 = arith.addi %mul3A_375, %add3A_376 : i32
      %swap3A_378 = arith.index_cast %add3A_377 : i32 to index
      %swap3A_379 = arith.constant 0 : index
      %swap3A_380 = tpu.vector_load %arg9[%swap3A_378, %swap3A_379] {strides = array<i32>} : memref<128x16xf32, #tpu.memory_space<vmem>>, vector<1x16xf32>,
      %swap3A_381 = vector.shape_cast %swap3A_380 : vector<1x16xf32> to vector<16xf32>
      %swap3A_382 = vector.shape_cast %broadcast_in_dim3A_373 : vector<16xf32> to vector<1x16xf32>
      tpu.vector_store %arg9[%swap3A_378, %swap3A_379], %swap3A_382 {strides = array<i32>} : memref<128x16xf32, #tpu.memory_space<vmem>>, vector<1x16xf32>,
      %slice3A_383 = vector.extract_strided_slice %exp3A {offsets = [12], sizes = [1], strides = [1]} : vector<16xf32> to vector<1xf32>
      %squeeze3A_384 = vector.extract %slice3A_383[0] : f32 from vector<1xf32>
      %broadcast_in_dim3A_385 = vector.broadcast %squeeze3A_384 : f32 to vector<16xf32>
      %mul3A_386 = arith.constant 16 : i32
      %mul3A_387 = arith.muli %scan3A_235, %mul3A_386 : i32
      %add3A_388 = arith.constant 12 : i32
      %add3A_389 = arith.addi %mul3A_387, %add3A_388 : i32
      %swap3A_390 = arith.index_cast %add3A_389 : i32 to index
      %swap3A_391 = arith.constant 0 : index
      %swap3A_392 = tpu.vector_load %arg9[%swap3A_390, %swap3A_391] {strides = array<i32>} : memref<128x16xf32, #tpu.memory_space<vmem>>, vector<1x16xf32>,
      %swap3A_393 = vector.shape_cast %swap3A_392 : vector<1x16xf32> to vector<16xf32>
      %swap3A_394 = vector.shape_cast %broadcast_in_dim3A_385 : vector<16xf32> to vector<1x16xf32>
      tpu.vector_store %arg9[%swap3A_390, %swap3A_391], %swap3A_394 {strides = array<i32>} : memref<128x16xf32, #tpu.memory_space<vmem>>, vector<1x16xf32>,
      %slice3A_395 = vector.extract_strided_slice %exp3A {offsets = [13], sizes = [1], strides = [1]} : vector<16xf32> to vector<1xf32>
      %squeeze3A_396 = vector.extract %slice3A_395[0] : f32 from vector<1xf32>
      %broadcast_in_dim3A_397 = vector.broadcast %squeeze3A_396 : f32 to vector<16xf32>
      %mul3A_398 = arith.constant 16 : i32
      %mul3A_399 = arith.muli %scan3A_235, %mul3A_398 : i32
      %add3A_400 = arith.constant 13 : i32
      %add3A_401 = arith.addi %mul3A_399, %add3A_400 : i32
      %swap3A_402 = arith.index_cast %add3A_401 : i32 to index
      %swap3A_403 = arith.constant 0 : index
      %swap3A_404 = tpu.vector_load %arg9[%swap3A_402, %swap3A_403] {strides = array<i32>} : memref<128x16xf32, #tpu.memory_space<vmem>>, vector<1x16xf32>,
      %swap3A_405 = vector.shape_cast %swap3A_404 : vector<1x16xf32> to vector<16xf32>
      %swap3A_406 = vector.shape_cast %broadcast_in_dim3A_397 : vector<16xf32> to vector<1x16xf32>
      tpu.vector_store %arg9[%swap3A_402, %swap3A_403], %swap3A_406 {strides = array<i32>} : memref<128x16xf32, #tpu.memory_space<vmem>>, vector<1x16xf32>,
      %slice3A_407 = vector.extract_strided_slice %exp3A {offsets = [14], sizes = [1], strides = [1]} : vector<16xf32> to vector<1xf32>
      %squeeze3A_408 = vector.extract %slice3A_407[0] : f32 from vector<1xf32>
      %broadcast_in_dim3A_409 = vector.broadcast %squeeze3A_408 : f32 to vector<16xf32>
      %mul3A_410 = arith.constant 16 : i32
      %mul3A_411 = arith.muli %scan3A_235, %mul3A_410 : i32
      %add3A_412 = arith.constant 14 : i32
      %add3A_413 = arith.addi %mul3A_411, %add3A_412 : i32
      %swap3A_414 = arith.index_cast %add3A_413 : i32 to index
      %swap3A_415 = arith.constant 0 : index
      %swap3A_416 = tpu.vector_load %arg9[%swap3A_414, %swap3A_415] {strides = array<i32>} : memref<128x16xf32, #tpu.memory_space<vmem>>, vector<1x16xf32>,
      %swap3A_417 = vector.shape_cast %swap3A_416 : vector<1x16xf32> to vector<16xf32>
      %swap3A_418 = vector.shape_cast %broadcast_in_dim3A_409 : vector<16xf32> to vector<1x16xf32>
      tpu.vector_store %arg9[%swap3A_414, %swap3A_415], %swap3A_418 {strides = array<i32>} : memref<128x16xf32, #tpu.memory_space<vmem>>, vector<1x16xf32>,
      %slice3A_419 = vector.extract_strided_slice %exp3A {offsets = [15], sizes = [1], strides = [1]} : vector<16xf32> to vector<1xf32>
      %squeeze3A_420 = vector.extract %slice3A_419[0] : f32 from vector<1xf32>
      %broadcast_in_dim3A_421 = vector.broadcast %squeeze3A_420 : f32 to vector<16xf32>
      %mul3A_422 = arith.constant 16 : i32
      %mul3A_423 = arith.muli %scan3A_235, %mul3A_422 : i32
      %add3A_424 = arith.constant 15 : i32
      %add3A_425 = arith.addi %mul3A_423, %add3A_424 : i32
      %swap3A_426 = arith.index_cast %add3A_425 : i32 to index
      %swap3A_427 = arith.constant 0 : index
      %swap3A_428 = tpu.vector_load %arg9[%swap3A_426, %swap3A_427] {strides = array<i32>} : memref<128x16xf32, #tpu.memory_space<vmem>>, vector<1x16xf32>,
      %swap3A_429 = vector.shape_cast %swap3A_428 : vector<1x16xf32> to vector<16xf32>
      %swap3A_430 = vector.shape_cast %broadcast_in_dim3A_421 : vector<16xf32> to vector<1x16xf32>
      tpu.vector_store %arg9[%swap3A_426, %swap3A_427], %swap3A_430 {strides = array<i32>} : memref<128x16xf32, #tpu.memory_space<vmem>>, vector<1x16xf32>,
      %scan3A_431 = arith.constant 0 : i32
      scf.yield %scan3A_431 : i32
    }
    %scan3A_73 = arith.constant 8 : i32
    %dma_wait3A_74 = arith.constant 0 : i32
    %dma_wait3A_75 = tpu.memref_slice %arg7[%dma_wait3A_74] : memref<512xi32, #tpu.memory_space<vmem>> -> memref<128xi32, #tpu.memory_space<vmem>>
    %dma_wait3A_76 = arith.constant 0 : i32
    %dma_wait3A_77 = arith.constant 0 : i32
    %dma_wait3A_78 = tpu.memref_slice %arg5[%dma_wait3A_76, %dma_wait3A_77] : memref<100000x128xf32, #tpu.memory_space<hbm>> -> memref<100000x128xf32, #tpu.memory_space<hbm>>
    tpu.wait_indirect_dma semaphore(%arg16 : memref<!tpu.dma_semaphore, #tpu.memory_space<semaphore_mem>>) src(%dma_wait3A_78 : memref<100000x128xf32, #tpu.memory_space<hbm>>) dst(%arg10 : memref<128x128xf32, #tpu.memory_space<vmem>>)
    %dma_wait3A_79 = arith.constant 0 : i32
    %dma_wait3A_80 = tpu.memref_slice %arg2[%multiple_of3A_15, %dma_wait3A_79] : memref<16384x128xf32, #tpu.memory_space<hbm>> -> memref<128x128xf32, #tpu.memory_space<hbm>>
    %dma_wait3A_81 = arith.constant 0 : i32
    %dma_wait3A_82 = tpu.memref_slice %arg2[%multiple_of3A_15, %dma_wait3A_81] : memref<16384x128xf32, #tpu.memory_space<hbm>> -> memref<128x128xf32, #tpu.memory_space<hbm>>
    tpu.wait_dma2 semaphore(%arg24 : memref<!tpu.dma_semaphore, #tpu.memory_space<semaphore_mem>>) src(%dma_wait3A_82 : memref<128x128xf32, #tpu.memory_space<hbm>>) dst(%arg14 : memref<128x128xf32, #tpu.memory_space<vmem>>)
    %scan3A_83 = arith.constant 0 : i32
    %scan3A_84 = arith.constant 0 : i32
    %scan3A_85 = arith.constant 128 : i32
    %scan3A_86 = arith.addi %scan3A_84, %scan3A_85 : i32
    %scan3A_87 = arith.constant 1 : i32
    %scan3A_88 = scf.for %scan3A_235 = %scan3A_84 to %scan3A_86 step %scan3A_87 iter_args(%scan3A_236 = %scan3A_83) -> (i32)  : i32 {
      %get3A = arith.index_cast %scan3A_235 : i32 to index
      %get3A_237 = arith.constant 0 : index
      %get3A_238 = tpu.vector_load %arg9[%get3A, %get3A_237] {strides = array<i32>} : memref<128x16xf32, #tpu.memory_space<vmem>>, vector<1x16xf32>,
      %get3A_239 = vector.shape_cast %get3A_238 : vector<1x16xf32> to vector<16xf32>
      %get3A_240 = arith.index_cast %scan3A_235 : i32 to index
      %get3A_241 = arith.constant 0 : index
      %get3A_242 = tpu.vector_load %arg14[%get3A_240, %get3A_241] {strides = array<i32>} : memref<128x128xf32, #tpu.memory_space<vmem>>, vector<1x16xf32>,
      %get3A_243 = vector.shape_cast %get3A_242 : vector<1x16xf32> to vector<16xf32>
      %mul3A_244 = arith.mulf %get3A_243, %get3A_239 : vector<16xf32>
      %swap3A = arith.index_cast %scan3A_235 : i32 to index
      %swap3A_245 = arith.constant 0 : index
      %swap3A_246 = tpu.vector_load %arg10[%swap3A, %swap3A_245] {strides = array<i32>} : memref<128x128xf32, #tpu.memory_space<vmem>>, vector<1x16xf32>,
      %swap3A_247 = vector.shape_cast %swap3A_246 : vector<1x16xf32> to vector<16xf32>
      %swap3A_248 = vector.shape_cast %mul3A_244 : vector<16xf32> to vector<1x16xf32>
      tpu.vector_store %arg10[%swap3A, %swap3A_245], %swap3A_248 {add = true, strides = array<i32>} : memref<128x128xf32, #tpu.memory_space<vmem>>, vector<1x16xf32>,
      %get3A_249 = arith.index_cast %scan3A_235 : i32 to index
      %get3A_250 = arith.constant 16 : index
      %get3A_251 = tpu.vector_load %arg14[%get3A_249, %get3A_250] {strides = array<i32>} : memref<128x128xf32, #tpu.memory_space<vmem>>, vector<1x16xf32>,
      %get3A_252 = vector.shape_cast %get3A_251 : vector<1x16xf32> to vector<16xf32>
      %mul3A_253 = arith.mulf %get3A_252, %get3A_239 : vector<16xf32>
      %swap3A_254 = arith.index_cast %scan3A_235 : i32 to index
      %swap3A_255 = arith.constant 16 : index
      %swap3A_256 = tpu.vector_load %arg10[%swap3A_254, %swap3A_255] {strides = array<i32>} : memref<128x128xf32, #tpu.memory_space<vmem>>, vector<1x16xf32>,
      %swap3A_257 = vector.shape_cast %swap3A_256 : vector<1x16xf32> to vector<16xf32>
      %swap3A_258 = vector.shape_cast %mul3A_253 : vector<16xf32> to vector<1x16xf32>
      tpu.vector_store %arg10[%swap3A_254, %swap3A_255], %swap3A_258 {add = true, strides = array<i32>} : memref<128x128xf32, #tpu.memory_space<vmem>>, vector<1x16xf32>,
      %get3A_259 = arith.index_cast %scan3A_235 : i32 to index
      %get3A_260 = arith.constant 32 : index
      %get3A_261 = tpu.vector_load %arg14[%get3A_259, %get3A_260] {strides = array<i32>} : memref<128x128xf32, #tpu.memory_space<vmem>>, vector<1x16xf32>,
      %get3A_262 = vector.shape_cast %get3A_261 : vector<1x16xf32> to vector<16xf32>
      %mul3A_263 = arith.mulf %get3A_262, %get3A_239 : vector<16xf32>
      %swap3A_264 = arith.index_cast %scan3A_235 : i32 to index
      %swap3A_265 = arith.constant 32 : index
      %swap3A_266 = tpu.vector_load %arg10[%swap3A_264, %swap3A_265] {strides = array<i32>} : memref<128x128xf32, #tpu.memory_space<vmem>>, vector<1x16xf32>,
      %swap3A_267 = vector.shape_cast %swap3A_266 : vector<1x16xf32> to vector<16xf32>
      %swap3A_268 = vector.shape_cast %mul3A_263 : vector<16xf32> to vector<1x16xf32>
      tpu.vector_store %arg10[%swap3A_264, %swap3A_265], %swap3A_268 {add = true, strides = array<i32>} : memref<128x128xf32, #tpu.memory_space<vmem>>, vector<1x16xf32>,
      %get3A_269 = arith.index_cast %scan3A_235 : i32 to index
      %get3A_270 = arith.constant 48 : index
      %get3A_271 = tpu.vector_load %arg14[%get3A_269, %get3A_270] {strides = array<i32>} : memref<128x128xf32, #tpu.memory_space<vmem>>, vector<1x16xf32>,
      %get3A_272 = vector.shape_cast %get3A_271 : vector<1x16xf32> to vector<16xf32>
      %mul3A_273 = arith.mulf %get3A_272, %get3A_239 : vector<16xf32>
      %swap3A_274 = arith.index_cast %scan3A_235 : i32 to index
      %swap3A_275 = arith.constant 48 : index
      %swap3A_276 = tpu.vector_load %arg10[%swap3A_274, %swap3A_275] {strides = array<i32>} : memref<128x128xf32, #tpu.memory_space<vmem>>, vector<1x16xf32>,
      %swap3A_277 = vector.shape_cast %swap3A_276 : vector<1x16xf32> to vector<16xf32>
      %swap3A_278 = vector.shape_cast %mul3A_273 : vector<16xf32> to vector<1x16xf32>
      tpu.vector_store %arg10[%swap3A_274, %swap3A_275], %swap3A_278 {add = true, strides = array<i32>} : memref<128x128xf32, #tpu.memory_space<vmem>>, vector<1x16xf32>,
      %get3A_279 = arith.index_cast %scan3A_235 : i32 to index
      %get3A_280 = arith.constant 64 : index
      %get3A_281 = tpu.vector_load %arg14[%get3A_279, %get3A_280] {strides = array<i32>} : memref<128x128xf32, #tpu.memory_space<vmem>>, vector<1x16xf32>,
      %get3A_282 = vector.shape_cast %get3A_281 : vector<1x16xf32> to vector<16xf32>
      %mul3A_283 = arith.mulf %get3A_282, %get3A_239 : vector<16xf32>
      %swap3A_284 = arith.index_cast %scan3A_235 : i32 to index
      %swap3A_285 = arith.constant 64 : index
      %swap3A_286 = tpu.vector_load %arg10[%swap3A_284, %swap3A_285] {strides = array<i32>} : memref<128x128xf32, #tpu.memory_space<vmem>>, vector<1x16xf32>,
      %swap3A_287 = vector.shape_cast %swap3A_286 : vector<1x16xf32> to vector<16xf32>
      %swap3A_288 = vector.shape_cast %mul3A_283 : vector<16xf32> to vector<1x16xf32>
      tpu.vector_store %arg10[%swap3A_284, %swap3A_285], %swap3A_288 {add = true, strides = array<i32>} : memref<128x128xf32, #tpu.memory_space<vmem>>, vector<1x16xf32>,
      %get3A_289 = arith.index_cast %scan3A_235 : i32 to index
      %get3A_290 = arith.constant 80 : index
      %get3A_291 = tpu.vector_load %arg14[%get3A_289, %get3A_290] {strides = array<i32>} : memref<128x128xf32, #tpu.memory_space<vmem>>, vector<1x16xf32>,
      %get3A_292 = vector.shape_cast %get3A_291 : vector<1x16xf32> to vector<16xf32>
      %mul3A_293 = arith.mulf %get3A_292, %get3A_239 : vector<16xf32>
      %swap3A_294 = arith.index_cast %scan3A_235 : i32 to index
      %swap3A_295 = arith.constant 80 : index
      %swap3A_296 = tpu.vector_load %arg10[%swap3A_294, %swap3A_295] {strides = array<i32>} : memref<128x128xf32, #tpu.memory_space<vmem>>, vector<1x16xf32>,
      %swap3A_297 = vector.shape_cast %swap3A_296 : vector<1x16xf32> to vector<16xf32>
      %swap3A_298 = vector.shape_cast %mul3A_293 : vector<16xf32> to vector<1x16xf32>
      tpu.vector_store %arg10[%swap3A_294, %swap3A_295], %swap3A_298 {add = true, strides = array<i32>} : memref<128x128xf32, #tpu.memory_space<vmem>>, vector<1x16xf32>,
      %get3A_299 = arith.index_cast %scan3A_235 : i32 to index
      %get3A_300 = arith.constant 96 : index
      %get3A_301 = tpu.vector_load %arg14[%get3A_299, %get3A_300] {strides = array<i32>} : memref<128x128xf32, #tpu.memory_space<vmem>>, vector<1x16xf32>,
      %get3A_302 = vector.shape_cast %get3A_301 : vector<1x16xf32> to vector<16xf32>
      %mul3A_303 = arith.mulf %get3A_302, %get3A_239 : vector<16xf32>
      %swap3A_304 = arith.index_cast %scan3A_235 : i32 to index
      %swap3A_305 = arith.constant 96 : index
      %swap3A_306 = tpu.vector_load %arg10[%swap3A_304, %swap3A_305] {strides = array<i32>} : memref<128x128xf32, #tpu.memory_space<vmem>>, vector<1x16xf32>,
      %swap3A_307 = vector.shape_cast %swap3A_306 : vector<1x16xf32> to vector<16xf32>
      %swap3A_308 = vector.shape_cast %mul3A_303 : vector<16xf32> to vector<1x16xf32>
      tpu.vector_store %arg10[%swap3A_304, %swap3A_305], %swap3A_308 {add = true, strides = array<i32>} : memref<128x128xf32, #tpu.memory_space<vmem>>, vector<1x16xf32>,
      %get3A_309 = arith.index_cast %scan3A_235 : i32 to index
      %get3A_310 = arith.constant 112 : index
      %get3A_311 = tpu.vector_load %arg14[%get3A_309, %get3A_310] {strides = array<i32>} : memref<128x128xf32, #tpu.memory_space<vmem>>, vector<1x16xf32>,
      %get3A_312 = vector.shape_cast %get3A_311 : vector<1x16xf32> to vector<16xf32>
      %mul3A_313 = arith.mulf %get3A_312, %get3A_239 : vector<16xf32>
      %swap3A_314 = arith.index_cast %scan3A_235 : i32 to index
      %swap3A_315 = arith.constant 112 : index
      %swap3A_316 = tpu.vector_load %arg10[%swap3A_314, %swap3A_315] {strides = array<i32>} : memref<128x128xf32, #tpu.memory_space<vmem>>, vector<1x16xf32>,
      %swap3A_317 = vector.shape_cast %swap3A_316 : vector<1x16xf32> to vector<16xf32>
      %swap3A_318 = vector.shape_cast %mul3A_313 : vector<16xf32> to vector<1x16xf32>
      tpu.vector_store %arg10[%swap3A_314, %swap3A_315], %swap3A_318 {add = true, strides = array<i32>} : memref<128x128xf32, #tpu.memory_space<vmem>>, vector<1x16xf32>,
      %scan3A_319 = arith.constant 0 : i32
      scf.yield %scan3A_319 : i32
    }
    %scan3A_89 = arith.constant 128 : i32
    %add3A_90 = arith.constant 0 : i32
    %add3A_91 = arith.addi %mul3A_2, %add3A_90 : i32
    %multiple_of3A_92 = tpu.assume_multiple %add3A_91, 128 : i32
    %dma_start3A_93 = arith.constant 0 : i32
    %dma_start3A_94 = tpu.memref_slice %arg6[%multiple_of3A_92, %dma_start3A_93] : memref<16384x128xf32, #tpu.memory_space<hbm>> -> memref<128x128xf32, #tpu.memory_space<hbm>>
    %dma_start3A_95 = arith.constant 0 : i32
    %dma_start3A_96 = tpu.memref_slice %arg6[%multiple_of3A_92, %dma_start3A_95] : memref<16384x128xf32, #tpu.memory_space<hbm>> -> memref<128x128xf32, #tpu.memory_space<hbm>>
    tpu.enqueue_dma source(%arg10 : memref<128x128xf32, #tpu.memory_space<vmem>>) target(%dma_start3A_96 : memref<128x128xf32, #tpu.memory_space<hbm>>) target_semaphore(%arg26 : memref<!tpu.dma_semaphore, #tpu.memory_space<semaphore_mem>>)
    %add3A_97 = arith.constant 256 : i32
    %add3A_98 = arith.addi %mul3A_2, %add3A_97 : i32
    %multiple_of3A_99 = tpu.assume_multiple %add3A_98, 128 : i32
    %dma_start3A_100 = arith.constant 0 : i32
    %dma_start3A_101 = tpu.memref_slice %arg2[%multiple_of3A_99, %dma_start3A_100] : memref<16384x128xf32, #tpu.memory_space<hbm>> -> memref<128x128xf32, #tpu.memory_space<hbm>>
    %dma_start3A_102 = arith.constant 0 : i32
    %dma_start3A_103 = tpu.memref_slice %arg2[%multiple_of3A_99, %dma_start3A_102] : memref<16384x128xf32, #tpu.memory_space<hbm>> -> memref<128x128xf32, #tpu.memory_space<hbm>>
    tpu.enqueue_dma source(%dma_start3A_103 : memref<128x128xf32, #tpu.memory_space<hbm>>) target(%arg14 : memref<128x128xf32, #tpu.memory_space<vmem>>) target_semaphore(%arg24 : memref<!tpu.dma_semaphore, #tpu.memory_space<semaphore_mem>>)
    %dma_wait3A_104 = arith.constant 128 : i32
    %dma_wait3A_105 = tpu.memref_slice %arg8[%dma_wait3A_104] : memref<512xf32, #tpu.memory_space<vmem>> -> memref<128xf32, #tpu.memory_space<vmem>>
    %dma_wait3A_106 = arith.constant 128 : i32
    %dma_wait3A_107 = tpu.memref_slice %arg7[%dma_wait3A_106] : memref<512xi32, #tpu.memory_space<vmem>> -> memref<128xi32, #tpu.memory_space<vmem>>
    %dma_wait3A_108 = arith.constant 0 : i32
    %dma_wait3A_109 = tpu.memref_slice %arg4[%dma_wait3A_108] : memref<100000xf32, #tpu.memory_space<hbm>> -> memref<100000xf32, #tpu.memory_space<hbm>>
    tpu.wait_indirect_dma semaphore(%arg21 : memref<!tpu.dma_semaphore, #tpu.memory_space<semaphore_mem>>) src(%dma_wait3A_109 : memref<100000xf32, #tpu.memory_space<hbm>>) dst(%dma_wait3A_105 : memref<128xf32, #tpu.memory_space<vmem>>)
    %scan3A_110 = arith.constant 0 : i32
    %scan3A_111 = arith.constant 0 : i32
    %scan3A_112 = arith.constant 8 : i32
    %scan3A_113 = arith.addi %scan3A_111, %scan3A_112 : i32
    %scan3A_114 = arith.constant 1 : i32
    %scan3A_115 = scf.for %scan3A_235 = %scan3A_111 to %scan3A_113 step %scan3A_114 iter_args(%scan3A_236 = %scan3A_110) -> (i32)  : i32 {
      %mul3A_237 = arith.constant 16 : i32
      %mul3A_238 = arith.muli %scan3A_235, %mul3A_237 : i32
      %add3A_239 = arith.constant 128 : i32
      %add3A_240 = arith.addi %add3A_239, %mul3A_238 : i32
      %get3A = arith.index_cast %add3A_240 : i32 to index
      %get3A_241 = tpu.vector_load %arg8[%get3A] {strides = array<i32>} : memref<512xf32, #tpu.memory_space<vmem>>, vector<16xf32>,
      %get3A_242 = vector.shape_cast %get3A_241 : vector<16xf32> to vector<16xf32>
      %exp3A = math.exp %get3A_242 : vector<16xf32>
      %slice3A = vector.extract_strided_slice %exp3A {offsets = [0], sizes = [1], strides = [1]} : vector<16xf32> to vector<1xf32>
      %squeeze3A = vector.extract %slice3A[0] : f32 from vector<1xf32>
      %broadcast_in_dim3A = vector.broadcast %squeeze3A : f32 to vector<16xf32>
      %mul3A_243 = arith.constant 16 : i32
      %mul3A_244 = arith.muli %scan3A_235, %mul3A_243 : i32
      %add3A_245 = arith.constant 0 : i32
      %add3A_246 = arith.addi %mul3A_244, %add3A_245 : i32
      %swap3A = arith.index_cast %add3A_246 : i32 to index
      %swap3A_247 = arith.constant 0 : index
      %swap3A_248 = tpu.vector_load %arg9[%swap3A, %swap3A_247] {strides = array<i32>} : memref<128x16xf32, #tpu.memory_space<vmem>>, vector<1x16xf32>,
      %swap3A_249 = vector.shape_cast %swap3A_248 : vector<1x16xf32> to vector<16xf32>
      %swap3A_250 = vector.shape_cast %broadcast_in_dim3A : vector<16xf32> to vector<1x16xf32>
      tpu.vector_store %arg9[%swap3A, %swap3A_247], %swap3A_250 {strides = array<i32>} : memref<128x16xf32, #tpu.memory_space<vmem>>, vector<1x16xf32>,
      %slice3A_251 = vector.extract_strided_slice %exp3A {offsets = [1], sizes = [1], strides = [1]} : vector<16xf32> to vector<1xf32>
      %squeeze3A_252 = vector.extract %slice3A_251[0] : f32 from vector<1xf32>
      %broadcast_in_dim3A_253 = vector.broadcast %squeeze3A_252 : f32 to vector<16xf32>
      %mul3A_254 = arith.constant 16 : i32
      %mul3A_255 = arith.muli %scan3A_235, %mul3A_254 : i32
      %add3A_256 = arith.constant 1 : i32
      %add3A_257 = arith.addi %mul3A_255, %add3A_256 : i32
      %swap3A_258 = arith.index_cast %add3A_257 : i32 to index
      %swap3A_259 = arith.constant 0 : index
      %swap3A_260 = tpu.vector_load %arg9[%swap3A_258, %swap3A_259] {strides = array<i32>} : memref<128x16xf32, #tpu.memory_space<vmem>>, vector<1x16xf32>,
      %swap3A_261 = vector.shape_cast %swap3A_260 : vector<1x16xf32> to vector<16xf32>
      %swap3A_262 = vector.shape_cast %broadcast_in_dim3A_253 : vector<16xf32> to vector<1x16xf32>
      tpu.vector_store %arg9[%swap3A_258, %swap3A_259], %swap3A_262 {strides = array<i32>} : memref<128x16xf32, #tpu.memory_space<vmem>>, vector<1x16xf32>,
      %slice3A_263 = vector.extract_strided_slice %exp3A {offsets = [2], sizes = [1], strides = [1]} : vector<16xf32> to vector<1xf32>
      %squeeze3A_264 = vector.extract %slice3A_263[0] : f32 from vector<1xf32>
      %broadcast_in_dim3A_265 = vector.broadcast %squeeze3A_264 : f32 to vector<16xf32>
      %mul3A_266 = arith.constant 16 : i32
      %mul3A_267 = arith.muli %scan3A_235, %mul3A_266 : i32
      %add3A_268 = arith.constant 2 : i32
      %add3A_269 = arith.addi %mul3A_267, %add3A_268 : i32
      %swap3A_270 = arith.index_cast %add3A_269 : i32 to index
      %swap3A_271 = arith.constant 0 : index
      %swap3A_272 = tpu.vector_load %arg9[%swap3A_270, %swap3A_271] {strides = array<i32>} : memref<128x16xf32, #tpu.memory_space<vmem>>, vector<1x16xf32>,
      %swap3A_273 = vector.shape_cast %swap3A_272 : vector<1x16xf32> to vector<16xf32>
      %swap3A_274 = vector.shape_cast %broadcast_in_dim3A_265 : vector<16xf32> to vector<1x16xf32>
      tpu.vector_store %arg9[%swap3A_270, %swap3A_271], %swap3A_274 {strides = array<i32>} : memref<128x16xf32, #tpu.memory_space<vmem>>, vector<1x16xf32>,
      %slice3A_275 = vector.extract_strided_slice %exp3A {offsets = [3], sizes = [1], strides = [1]} : vector<16xf32> to vector<1xf32>
      %squeeze3A_276 = vector.extract %slice3A_275[0] : f32 from vector<1xf32>
      %broadcast_in_dim3A_277 = vector.broadcast %squeeze3A_276 : f32 to vector<16xf32>
      %mul3A_278 = arith.constant 16 : i32
      %mul3A_279 = arith.muli %scan3A_235, %mul3A_278 : i32
      %add3A_280 = arith.constant 3 : i32
      %add3A_281 = arith.addi %mul3A_279, %add3A_280 : i32
      %swap3A_282 = arith.index_cast %add3A_281 : i32 to index
      %swap3A_283 = arith.constant 0 : index
      %swap3A_284 = tpu.vector_load %arg9[%swap3A_282, %swap3A_283] {strides = array<i32>} : memref<128x16xf32, #tpu.memory_space<vmem>>, vector<1x16xf32>,
      %swap3A_285 = vector.shape_cast %swap3A_284 : vector<1x16xf32> to vector<16xf32>
      %swap3A_286 = vector.shape_cast %broadcast_in_dim3A_277 : vector<16xf32> to vector<1x16xf32>
      tpu.vector_store %arg9[%swap3A_282, %swap3A_283], %swap3A_286 {strides = array<i32>} : memref<128x16xf32, #tpu.memory_space<vmem>>, vector<1x16xf32>,
      %slice3A_287 = vector.extract_strided_slice %exp3A {offsets = [4], sizes = [1], strides = [1]} : vector<16xf32> to vector<1xf32>
      %squeeze3A_288 = vector.extract %slice3A_287[0] : f32 from vector<1xf32>
      %broadcast_in_dim3A_289 = vector.broadcast %squeeze3A_288 : f32 to vector<16xf32>
      %mul3A_290 = arith.constant 16 : i32
      %mul3A_291 = arith.muli %scan3A_235, %mul3A_290 : i32
      %add3A_292 = arith.constant 4 : i32
      %add3A_293 = arith.addi %mul3A_291, %add3A_292 : i32
      %swap3A_294 = arith.index_cast %add3A_293 : i32 to index
      %swap3A_295 = arith.constant 0 : index
      %swap3A_296 = tpu.vector_load %arg9[%swap3A_294, %swap3A_295] {strides = array<i32>} : memref<128x16xf32, #tpu.memory_space<vmem>>, vector<1x16xf32>,
      %swap3A_297 = vector.shape_cast %swap3A_296 : vector<1x16xf32> to vector<16xf32>
      %swap3A_298 = vector.shape_cast %broadcast_in_dim3A_289 : vector<16xf32> to vector<1x16xf32>
      tpu.vector_store %arg9[%swap3A_294, %swap3A_295], %swap3A_298 {strides = array<i32>} : memref<128x16xf32, #tpu.memory_space<vmem>>, vector<1x16xf32>,
      %slice3A_299 = vector.extract_strided_slice %exp3A {offsets = [5], sizes = [1], strides = [1]} : vector<16xf32> to vector<1xf32>
      %squeeze3A_300 = vector.extract %slice3A_299[0] : f32 from vector<1xf32>
      %broadcast_in_dim3A_301 = vector.broadcast %squeeze3A_300 : f32 to vector<16xf32>
      %mul3A_302 = arith.constant 16 : i32
      %mul3A_303 = arith.muli %scan3A_235, %mul3A_302 : i32
      %add3A_304 = arith.constant 5 : i32
      %add3A_305 = arith.addi %mul3A_303, %add3A_304 : i32
      %swap3A_306 = arith.index_cast %add3A_305 : i32 to index
      %swap3A_307 = arith.constant 0 : index
      %swap3A_308 = tpu.vector_load %arg9[%swap3A_306, %swap3A_307] {strides = array<i32>} : memref<128x16xf32, #tpu.memory_space<vmem>>, vector<1x16xf32>,
      %swap3A_309 = vector.shape_cast %swap3A_308 : vector<1x16xf32> to vector<16xf32>
      %swap3A_310 = vector.shape_cast %broadcast_in_dim3A_301 : vector<16xf32> to vector<1x16xf32>
      tpu.vector_store %arg9[%swap3A_306, %swap3A_307], %swap3A_310 {strides = array<i32>} : memref<128x16xf32, #tpu.memory_space<vmem>>, vector<1x16xf32>,
      %slice3A_311 = vector.extract_strided_slice %exp3A {offsets = [6], sizes = [1], strides = [1]} : vector<16xf32> to vector<1xf32>
      %squeeze3A_312 = vector.extract %slice3A_311[0] : f32 from vector<1xf32>
      %broadcast_in_dim3A_313 = vector.broadcast %squeeze3A_312 : f32 to vector<16xf32>
      %mul3A_314 = arith.constant 16 : i32
      %mul3A_315 = arith.muli %scan3A_235, %mul3A_314 : i32
      %add3A_316 = arith.constant 6 : i32
      %add3A_317 = arith.addi %mul3A_315, %add3A_316 : i32
      %swap3A_318 = arith.index_cast %add3A_317 : i32 to index
      %swap3A_319 = arith.constant 0 : index
      %swap3A_320 = tpu.vector_load %arg9[%swap3A_318, %swap3A_319] {strides = array<i32>} : memref<128x16xf32, #tpu.memory_space<vmem>>, vector<1x16xf32>,
      %swap3A_321 = vector.shape_cast %swap3A_320 : vector<1x16xf32> to vector<16xf32>
      %swap3A_322 = vector.shape_cast %broadcast_in_dim3A_313 : vector<16xf32> to vector<1x16xf32>
      tpu.vector_store %arg9[%swap3A_318, %swap3A_319], %swap3A_322 {strides = array<i32>} : memref<128x16xf32, #tpu.memory_space<vmem>>, vector<1x16xf32>,
      %slice3A_323 = vector.extract_strided_slice %exp3A {offsets = [7], sizes = [1], strides = [1]} : vector<16xf32> to vector<1xf32>
      %squeeze3A_324 = vector.extract %slice3A_323[0] : f32 from vector<1xf32>
      %broadcast_in_dim3A_325 = vector.broadcast %squeeze3A_324 : f32 to vector<16xf32>
      %mul3A_326 = arith.constant 16 : i32
      %mul3A_327 = arith.muli %scan3A_235, %mul3A_326 : i32
      %add3A_328 = arith.constant 7 : i32
      %add3A_329 = arith.addi %mul3A_327, %add3A_328 : i32
      %swap3A_330 = arith.index_cast %add3A_329 : i32 to index
      %swap3A_331 = arith.constant 0 : index
      %swap3A_332 = tpu.vector_load %arg9[%swap3A_330, %swap3A_331] {strides = array<i32>} : memref<128x16xf32, #tpu.memory_space<vmem>>, vector<1x16xf32>,
      %swap3A_333 = vector.shape_cast %swap3A_332 : vector<1x16xf32> to vector<16xf32>
      %swap3A_334 = vector.shape_cast %broadcast_in_dim3A_325 : vector<16xf32> to vector<1x16xf32>
      tpu.vector_store %arg9[%swap3A_330, %swap3A_331], %swap3A_334 {strides = array<i32>} : memref<128x16xf32, #tpu.memory_space<vmem>>, vector<1x16xf32>,
      %slice3A_335 = vector.extract_strided_slice %exp3A {offsets = [8], sizes = [1], strides = [1]} : vector<16xf32> to vector<1xf32>
      %squeeze3A_336 = vector.extract %slice3A_335[0] : f32 from vector<1xf32>
      %broadcast_in_dim3A_337 = vector.broadcast %squeeze3A_336 : f32 to vector<16xf32>
      %mul3A_338 = arith.constant 16 : i32
      %mul3A_339 = arith.muli %scan3A_235, %mul3A_338 : i32
      %add3A_340 = arith.constant 8 : i32
      %add3A_341 = arith.addi %mul3A_339, %add3A_340 : i32
      %swap3A_342 = arith.index_cast %add3A_341 : i32 to index
      %swap3A_343 = arith.constant 0 : index
      %swap3A_344 = tpu.vector_load %arg9[%swap3A_342, %swap3A_343] {strides = array<i32>} : memref<128x16xf32, #tpu.memory_space<vmem>>, vector<1x16xf32>,
      %swap3A_345 = vector.shape_cast %swap3A_344 : vector<1x16xf32> to vector<16xf32>
      %swap3A_346 = vector.shape_cast %broadcast_in_dim3A_337 : vector<16xf32> to vector<1x16xf32>
      tpu.vector_store %arg9[%swap3A_342, %swap3A_343], %swap3A_346 {strides = array<i32>} : memref<128x16xf32, #tpu.memory_space<vmem>>, vector<1x16xf32>,
      %slice3A_347 = vector.extract_strided_slice %exp3A {offsets = [9], sizes = [1], strides = [1]} : vector<16xf32> to vector<1xf32>
      %squeeze3A_348 = vector.extract %slice3A_347[0] : f32 from vector<1xf32>
      %broadcast_in_dim3A_349 = vector.broadcast %squeeze3A_348 : f32 to vector<16xf32>
      %mul3A_350 = arith.constant 16 : i32
      %mul3A_351 = arith.muli %scan3A_235, %mul3A_350 : i32
      %add3A_352 = arith.constant 9 : i32
      %add3A_353 = arith.addi %mul3A_351, %add3A_352 : i32
      %swap3A_354 = arith.index_cast %add3A_353 : i32 to index
      %swap3A_355 = arith.constant 0 : index
      %swap3A_356 = tpu.vector_load %arg9[%swap3A_354, %swap3A_355] {strides = array<i32>} : memref<128x16xf32, #tpu.memory_space<vmem>>, vector<1x16xf32>,
      %swap3A_357 = vector.shape_cast %swap3A_356 : vector<1x16xf32> to vector<16xf32>
      %swap3A_358 = vector.shape_cast %broadcast_in_dim3A_349 : vector<16xf32> to vector<1x16xf32>
      tpu.vector_store %arg9[%swap3A_354, %swap3A_355], %swap3A_358 {strides = array<i32>} : memref<128x16xf32, #tpu.memory_space<vmem>>, vector<1x16xf32>,
      %slice3A_359 = vector.extract_strided_slice %exp3A {offsets = [10], sizes = [1], strides = [1]} : vector<16xf32> to vector<1xf32>
      %squeeze3A_360 = vector.extract %slice3A_359[0] : f32 from vector<1xf32>
      %broadcast_in_dim3A_361 = vector.broadcast %squeeze3A_360 : f32 to vector<16xf32>
      %mul3A_362 = arith.constant 16 : i32
      %mul3A_363 = arith.muli %scan3A_235, %mul3A_362 : i32
      %add3A_364 = arith.constant 10 : i32
      %add3A_365 = arith.addi %mul3A_363, %add3A_364 : i32
      %swap3A_366 = arith.index_cast %add3A_365 : i32 to index
      %swap3A_367 = arith.constant 0 : index
      %swap3A_368 = tpu.vector_load %arg9[%swap3A_366, %swap3A_367] {strides = array<i32>} : memref<128x16xf32, #tpu.memory_space<vmem>>, vector<1x16xf32>,
      %swap3A_369 = vector.shape_cast %swap3A_368 : vector<1x16xf32> to vector<16xf32>
      %swap3A_370 = vector.shape_cast %broadcast_in_dim3A_361 : vector<16xf32> to vector<1x16xf32>
      tpu.vector_store %arg9[%swap3A_366, %swap3A_367], %swap3A_370 {strides = array<i32>} : memref<128x16xf32, #tpu.memory_space<vmem>>, vector<1x16xf32>,
      %slice3A_371 = vector.extract_strided_slice %exp3A {offsets = [11], sizes = [1], strides = [1]} : vector<16xf32> to vector<1xf32>
      %squeeze3A_372 = vector.extract %slice3A_371[0] : f32 from vector<1xf32>
      %broadcast_in_dim3A_373 = vector.broadcast %squeeze3A_372 : f32 to vector<16xf32>
      %mul3A_374 = arith.constant 16 : i32
      %mul3A_375 = arith.muli %scan3A_235, %mul3A_374 : i32
      %add3A_376 = arith.constant 11 : i32
      %add3A_377 = arith.addi %mul3A_375, %add3A_376 : i32
      %swap3A_378 = arith.index_cast %add3A_377 : i32 to index
      %swap3A_379 = arith.constant 0 : index
      %swap3A_380 = tpu.vector_load %arg9[%swap3A_378, %swap3A_379] {strides = array<i32>} : memref<128x16xf32, #tpu.memory_space<vmem>>, vector<1x16xf32>,
      %swap3A_381 = vector.shape_cast %swap3A_380 : vector<1x16xf32> to vector<16xf32>
      %swap3A_382 = vector.shape_cast %broadcast_in_dim3A_373 : vector<16xf32> to vector<1x16xf32>
      tpu.vector_store %arg9[%swap3A_378, %swap3A_379], %swap3A_382 {strides = array<i32>} : memref<128x16xf32, #tpu.memory_space<vmem>>, vector<1x16xf32>,
      %slice3A_383 = vector.extract_strided_slice %exp3A {offsets = [12], sizes = [1], strides = [1]} : vector<16xf32> to vector<1xf32>
      %squeeze3A_384 = vector.extract %slice3A_383[0] : f32 from vector<1xf32>
      %broadcast_in_dim3A_385 = vector.broadcast %squeeze3A_384 : f32 to vector<16xf32>
      %mul3A_386 = arith.constant 16 : i32
      %mul3A_387 = arith.muli %scan3A_235, %mul3A_386 : i32
      %add3A_388 = arith.constant 12 : i32
      %add3A_389 = arith.addi %mul3A_387, %add3A_388 : i32
      %swap3A_390 = arith.index_cast %add3A_389 : i32 to index
      %swap3A_391 = arith.constant 0 : index
      %swap3A_392 = tpu.vector_load %arg9[%swap3A_390, %swap3A_391] {strides = array<i32>} : memref<128x16xf32, #tpu.memory_space<vmem>>, vector<1x16xf32>,
      %swap3A_393 = vector.shape_cast %swap3A_392 : vector<1x16xf32> to vector<16xf32>
      %swap3A_394 = vector.shape_cast %broadcast_in_dim3A_385 : vector<16xf32> to vector<1x16xf32>
      tpu.vector_store %arg9[%swap3A_390, %swap3A_391], %swap3A_394 {strides = array<i32>} : memref<128x16xf32, #tpu.memory_space<vmem>>, vector<1x16xf32>,
      %slice3A_395 = vector.extract_strided_slice %exp3A {offsets = [13], sizes = [1], strides = [1]} : vector<16xf32> to vector<1xf32>
      %squeeze3A_396 = vector.extract %slice3A_395[0] : f32 from vector<1xf32>
      %broadcast_in_dim3A_397 = vector.broadcast %squeeze3A_396 : f32 to vector<16xf32>
      %mul3A_398 = arith.constant 16 : i32
      %mul3A_399 = arith.muli %scan3A_235, %mul3A_398 : i32
      %add3A_400 = arith.constant 13 : i32
      %add3A_401 = arith.addi %mul3A_399, %add3A_400 : i32
      %swap3A_402 = arith.index_cast %add3A_401 : i32 to index
      %swap3A_403 = arith.constant 0 : index
      %swap3A_404 = tpu.vector_load %arg9[%swap3A_402, %swap3A_403] {strides = array<i32>} : memref<128x16xf32, #tpu.memory_space<vmem>>, vector<1x16xf32>,
      %swap3A_405 = vector.shape_cast %swap3A_404 : vector<1x16xf32> to vector<16xf32>
      %swap3A_406 = vector.shape_cast %broadcast_in_dim3A_397 : vector<16xf32> to vector<1x16xf32>
      tpu.vector_store %arg9[%swap3A_402, %swap3A_403], %swap3A_406 {strides = array<i32>} : memref<128x16xf32, #tpu.memory_space<vmem>>, vector<1x16xf32>,
      %slice3A_407 = vector.extract_strided_slice %exp3A {offsets = [14], sizes = [1], strides = [1]} : vector<16xf32> to vector<1xf32>
      %squeeze3A_408 = vector.extract %slice3A_407[0] : f32 from vector<1xf32>
      %broadcast_in_dim3A_409 = vector.broadcast %squeeze3A_408 : f32 to vector<16xf32>
      %mul3A_410 = arith.constant 16 : i32
      %mul3A_411 = arith.muli %scan3A_235, %mul3A_410 : i32
      %add3A_412 = arith.constant 14 : i32
      %add3A_413 = arith.addi %mul3A_411, %add3A_412 : i32
      %swap3A_414 = arith.index_cast %add3A_413 : i32 to index
      %swap3A_415 = arith.constant 0 : index
      %swap3A_416 = tpu.vector_load %arg9[%swap3A_414, %swap3A_415] {strides = array<i32>} : memref<128x16xf32, #tpu.memory_space<vmem>>, vector<1x16xf32>,
      %swap3A_417 = vector.shape_cast %swap3A_416 : vector<1x16xf32> to vector<16xf32>
      %swap3A_418 = vector.shape_cast %broadcast_in_dim3A_409 : vector<16xf32> to vector<1x16xf32>
      tpu.vector_store %arg9[%swap3A_414, %swap3A_415], %swap3A_418 {strides = array<i32>} : memref<128x16xf32, #tpu.memory_space<vmem>>, vector<1x16xf32>,
      %slice3A_419 = vector.extract_strided_slice %exp3A {offsets = [15], sizes = [1], strides = [1]} : vector<16xf32> to vector<1xf32>
      %squeeze3A_420 = vector.extract %slice3A_419[0] : f32 from vector<1xf32>
      %broadcast_in_dim3A_421 = vector.broadcast %squeeze3A_420 : f32 to vector<16xf32>
      %mul3A_422 = arith.constant 16 : i32
      %mul3A_423 = arith.muli %scan3A_235, %mul3A_422 : i32
      %add3A_424 = arith.constant 15 : i32
      %add3A_425 = arith.addi %mul3A_423, %add3A_424 : i32
      %swap3A_426 = arith.index_cast %add3A_425 : i32 to index
      %swap3A_427 = arith.constant 0 : index
      %swap3A_428 = tpu.vector_load %arg9[%swap3A_426, %swap3A_427] {strides = array<i32>} : memref<128x16xf32, #tpu.memory_space<vmem>>, vector<1x16xf32>,
      %swap3A_429 = vector.shape_cast %swap3A_428 : vector<1x16xf32> to vector<16xf32>
      %swap3A_430 = vector.shape_cast %broadcast_in_dim3A_421 : vector<16xf32> to vector<1x16xf32>
      tpu.vector_store %arg9[%swap3A_426, %swap3A_427], %swap3A_430 {strides = array<i32>} : memref<128x16xf32, #tpu.memory_space<vmem>>, vector<1x16xf32>,
      %scan3A_431 = arith.constant 0 : i32
      scf.yield %scan3A_431 : i32
    }
    %scan3A_116 = arith.constant 8 : i32
    %dma_wait3A_117 = arith.constant 128 : i32
    %dma_wait3A_118 = tpu.memref_slice %arg7[%dma_wait3A_117] : memref<512xi32, #tpu.memory_space<vmem>> -> memref<128xi32, #tpu.memory_space<vmem>>
    %dma_wait3A_119 = arith.constant 0 : i32
    %dma_wait3A_120 = arith.constant 0 : i32
    %dma_wait3A_121 = tpu.memref_slice %arg5[%dma_wait3A_119, %dma_wait3A_120] : memref<100000x128xf32, #tpu.memory_space<hbm>> -> memref<100000x128xf32, #tpu.memory_space<hbm>>
    tpu.wait_indirect_dma semaphore(%arg17 : memref<!tpu.dma_semaphore, #tpu.memory_space<semaphore_mem>>) src(%dma_wait3A_121 : memref<100000x128xf32, #tpu.memory_space<hbm>>) dst(%arg11 : memref<128x128xf32, #tpu.memory_space<vmem>>)
    %dma_wait3A_122 = arith.constant 0 : i32
    %dma_wait3A_123 = tpu.memref_slice %arg2[%multiple_of3A_58, %dma_wait3A_122] : memref<16384x128xf32, #tpu.memory_space<hbm>> -> memref<128x128xf32, #tpu.memory_space<hbm>>
    %dma_wait3A_124 = arith.constant 0 : i32
    %dma_wait3A_125 = tpu.memref_slice %arg2[%multiple_of3A_58, %dma_wait3A_124] : memref<16384x128xf32, #tpu.memory_space<hbm>> -> memref<128x128xf32, #tpu.memory_space<hbm>>
    tpu.wait_dma2 semaphore(%arg25 : memref<!tpu.dma_semaphore, #tpu.memory_space<semaphore_mem>>) src(%dma_wait3A_125 : memref<128x128xf32, #tpu.memory_space<hbm>>) dst(%arg15 : memref<128x128xf32, #tpu.memory_space<vmem>>)
    %scan3A_126 = arith.constant 0 : i32
    %scan3A_127 = arith.constant 0 : i32
    %scan3A_128 = arith.constant 128 : i32
    %scan3A_129 = arith.addi %scan3A_127, %scan3A_128 : i32
    %scan3A_130 = arith.constant 1 : i32
    %scan3A_131 = scf.for %scan3A_235 = %scan3A_127 to %scan3A_129 step %scan3A_130 iter_args(%scan3A_236 = %scan3A_126) -> (i32)  : i32 {
      %get3A = arith.index_cast %scan3A_235 : i32 to index
      %get3A_237 = arith.constant 0 : index
      %get3A_238 = tpu.vector_load %arg9[%get3A, %get3A_237] {strides = array<i32>} : memref<128x16xf32, #tpu.memory_space<vmem>>, vector<1x16xf32>,
      %get3A_239 = vector.shape_cast %get3A_238 : vector<1x16xf32> to vector<16xf32>
      %get3A_240 = arith.index_cast %scan3A_235 : i32 to index
      %get3A_241 = arith.constant 0 : index
      %get3A_242 = tpu.vector_load %arg15[%get3A_240, %get3A_241] {strides = array<i32>} : memref<128x128xf32, #tpu.memory_space<vmem>>, vector<1x16xf32>,
      %get3A_243 = vector.shape_cast %get3A_242 : vector<1x16xf32> to vector<16xf32>
      %mul3A_244 = arith.mulf %get3A_243, %get3A_239 : vector<16xf32>
      %swap3A = arith.index_cast %scan3A_235 : i32 to index
      %swap3A_245 = arith.constant 0 : index
      %swap3A_246 = tpu.vector_load %arg11[%swap3A, %swap3A_245] {strides = array<i32>} : memref<128x128xf32, #tpu.memory_space<vmem>>, vector<1x16xf32>,
      %swap3A_247 = vector.shape_cast %swap3A_246 : vector<1x16xf32> to vector<16xf32>
      %swap3A_248 = vector.shape_cast %mul3A_244 : vector<16xf32> to vector<1x16xf32>
      tpu.vector_store %arg11[%swap3A, %swap3A_245], %swap3A_248 {add = true, strides = array<i32>} : memref<128x128xf32, #tpu.memory_space<vmem>>, vector<1x16xf32>,
      %get3A_249 = arith.index_cast %scan3A_235 : i32 to index
      %get3A_250 = arith.constant 16 : index
      %get3A_251 = tpu.vector_load %arg15[%get3A_249, %get3A_250] {strides = array<i32>} : memref<128x128xf32, #tpu.memory_space<vmem>>, vector<1x16xf32>,
      %get3A_252 = vector.shape_cast %get3A_251 : vector<1x16xf32> to vector<16xf32>
      %mul3A_253 = arith.mulf %get3A_252, %get3A_239 : vector<16xf32>
      %swap3A_254 = arith.index_cast %scan3A_235 : i32 to index
      %swap3A_255 = arith.constant 16 : index
      %swap3A_256 = tpu.vector_load %arg11[%swap3A_254, %swap3A_255] {strides = array<i32>} : memref<128x128xf32, #tpu.memory_space<vmem>>, vector<1x16xf32>,
      %swap3A_257 = vector.shape_cast %swap3A_256 : vector<1x16xf32> to vector<16xf32>
      %swap3A_258 = vector.shape_cast %mul3A_253 : vector<16xf32> to vector<1x16xf32>
      tpu.vector_store %arg11[%swap3A_254, %swap3A_255], %swap3A_258 {add = true, strides = array<i32>} : memref<128x128xf32, #tpu.memory_space<vmem>>, vector<1x16xf32>,
      %get3A_259 = arith.index_cast %scan3A_235 : i32 to index
      %get3A_260 = arith.constant 32 : index
      %get3A_261 = tpu.vector_load %arg15[%get3A_259, %get3A_260] {strides = array<i32>} : memref<128x128xf32, #tpu.memory_space<vmem>>, vector<1x16xf32>,
      %get3A_262 = vector.shape_cast %get3A_261 : vector<1x16xf32> to vector<16xf32>
      %mul3A_263 = arith.mulf %get3A_262, %get3A_239 : vector<16xf32>
      %swap3A_264 = arith.index_cast %scan3A_235 : i32 to index
      %swap3A_265 = arith.constant 32 : index
      %swap3A_266 = tpu.vector_load %arg11[%swap3A_264, %swap3A_265] {strides = array<i32>} : memref<128x128xf32, #tpu.memory_space<vmem>>, vector<1x16xf32>,
      %swap3A_267 = vector.shape_cast %swap3A_266 : vector<1x16xf32> to vector<16xf32>
      %swap3A_268 = vector.shape_cast %mul3A_263 : vector<16xf32> to vector<1x16xf32>
      tpu.vector_store %arg11[%swap3A_264, %swap3A_265], %swap3A_268 {add = true, strides = array<i32>} : memref<128x128xf32, #tpu.memory_space<vmem>>, vector<1x16xf32>,
      %get3A_269 = arith.index_cast %scan3A_235 : i32 to index
      %get3A_270 = arith.constant 48 : index
      %get3A_271 = tpu.vector_load %arg15[%get3A_269, %get3A_270] {strides = array<i32>} : memref<128x128xf32, #tpu.memory_space<vmem>>, vector<1x16xf32>,
      %get3A_272 = vector.shape_cast %get3A_271 : vector<1x16xf32> to vector<16xf32>
      %mul3A_273 = arith.mulf %get3A_272, %get3A_239 : vector<16xf32>
      %swap3A_274 = arith.index_cast %scan3A_235 : i32 to index
      %swap3A_275 = arith.constant 48 : index
      %swap3A_276 = tpu.vector_load %arg11[%swap3A_274, %swap3A_275] {strides = array<i32>} : memref<128x128xf32, #tpu.memory_space<vmem>>, vector<1x16xf32>,
      %swap3A_277 = vector.shape_cast %swap3A_276 : vector<1x16xf32> to vector<16xf32>
      %swap3A_278 = vector.shape_cast %mul3A_273 : vector<16xf32> to vector<1x16xf32>
      tpu.vector_store %arg11[%swap3A_274, %swap3A_275], %swap3A_278 {add = true, strides = array<i32>} : memref<128x128xf32, #tpu.memory_space<vmem>>, vector<1x16xf32>,
      %get3A_279 = arith.index_cast %scan3A_235 : i32 to index
      %get3A_280 = arith.constant 64 : index
      %get3A_281 = tpu.vector_load %arg15[%get3A_279, %get3A_280] {strides = array<i32>} : memref<128x128xf32, #tpu.memory_space<vmem>>, vector<1x16xf32>,
      %get3A_282 = vector.shape_cast %get3A_281 : vector<1x16xf32> to vector<16xf32>
      %mul3A_283 = arith.mulf %get3A_282, %get3A_239 : vector<16xf32>
      %swap3A_284 = arith.index_cast %scan3A_235 : i32 to index
      %swap3A_285 = arith.constant 64 : index
      %swap3A_286 = tpu.vector_load %arg11[%swap3A_284, %swap3A_285] {strides = array<i32>} : memref<128x128xf32, #tpu.memory_space<vmem>>, vector<1x16xf32>,
      %swap3A_287 = vector.shape_cast %swap3A_286 : vector<1x16xf32> to vector<16xf32>
      %swap3A_288 = vector.shape_cast %mul3A_283 : vector<16xf32> to vector<1x16xf32>
      tpu.vector_store %arg11[%swap3A_284, %swap3A_285], %swap3A_288 {add = true, strides = array<i32>} : memref<128x128xf32, #tpu.memory_space<vmem>>, vector<1x16xf32>,
      %get3A_289 = arith.index_cast %scan3A_235 : i32 to index
      %get3A_290 = arith.constant 80 : index
      %get3A_291 = tpu.vector_load %arg15[%get3A_289, %get3A_290] {strides = array<i32>} : memref<128x128xf32, #tpu.memory_space<vmem>>, vector<1x16xf32>,
      %get3A_292 = vector.shape_cast %get3A_291 : vector<1x16xf32> to vector<16xf32>
      %mul3A_293 = arith.mulf %get3A_292, %get3A_239 : vector<16xf32>
      %swap3A_294 = arith.index_cast %scan3A_235 : i32 to index
      %swap3A_295 = arith.constant 80 : index
      %swap3A_296 = tpu.vector_load %arg11[%swap3A_294, %swap3A_295] {strides = array<i32>} : memref<128x128xf32, #tpu.memory_space<vmem>>, vector<1x16xf32>,
      %swap3A_297 = vector.shape_cast %swap3A_296 : vector<1x16xf32> to vector<16xf32>
      %swap3A_298 = vector.shape_cast %mul3A_293 : vector<16xf32> to vector<1x16xf32>
      tpu.vector_store %arg11[%swap3A_294, %swap3A_295], %swap3A_298 {add = true, strides = array<i32>} : memref<128x128xf32, #tpu.memory_space<vmem>>, vector<1x16xf32>,
      %get3A_299 = arith.index_cast %scan3A_235 : i32 to index
      %get3A_300 = arith.constant 96 : index
      %get3A_301 = tpu.vector_load %arg15[%get3A_299, %get3A_300] {strides = array<i32>} : memref<128x128xf32, #tpu.memory_space<vmem>>, vector<1x16xf32>,
      %get3A_302 = vector.shape_cast %get3A_301 : vector<1x16xf32> to vector<16xf32>
      %mul3A_303 = arith.mulf %get3A_302, %get3A_239 : vector<16xf32>
      %swap3A_304 = arith.index_cast %scan3A_235 : i32 to index
      %swap3A_305 = arith.constant 96 : index
      %swap3A_306 = tpu.vector_load %arg11[%swap3A_304, %swap3A_305] {strides = array<i32>} : memref<128x128xf32, #tpu.memory_space<vmem>>, vector<1x16xf32>,
      %swap3A_307 = vector.shape_cast %swap3A_306 : vector<1x16xf32> to vector<16xf32>
      %swap3A_308 = vector.shape_cast %mul3A_303 : vector<16xf32> to vector<1x16xf32>
      tpu.vector_store %arg11[%swap3A_304, %swap3A_305], %swap3A_308 {add = true, strides = array<i32>} : memref<128x128xf32, #tpu.memory_space<vmem>>, vector<1x16xf32>,
      %get3A_309 = arith.index_cast %scan3A_235 : i32 to index
      %get3A_310 = arith.constant 112 : index
      %get3A_311 = tpu.vector_load %arg15[%get3A_309, %get3A_310] {strides = array<i32>} : memref<128x128xf32, #tpu.memory_space<vmem>>, vector<1x16xf32>,
      %get3A_312 = vector.shape_cast %get3A_311 : vector<1x16xf32> to vector<16xf32>
      %mul3A_313 = arith.mulf %get3A_312, %get3A_239 : vector<16xf32>
      %swap3A_314 = arith.index_cast %scan3A_235 : i32 to index
      %swap3A_315 = arith.constant 112 : index
      %swap3A_316 = tpu.vector_load %arg11[%swap3A_314, %swap3A_315] {strides = array<i32>} : memref<128x128xf32, #tpu.memory_space<vmem>>, vector<1x16xf32>,
      %swap3A_317 = vector.shape_cast %swap3A_316 : vector<1x16xf32> to vector<16xf32>
      %swap3A_318 = vector.shape_cast %mul3A_313 : vector<16xf32> to vector<1x16xf32>
      tpu.vector_store %arg11[%swap3A_314, %swap3A_315], %swap3A_318 {add = true, strides = array<i32>} : memref<128x128xf32, #tpu.memory_space<vmem>>, vector<1x16xf32>,
      %scan3A_319 = arith.constant 0 : i32
      scf.yield %scan3A_319 : i32
    }
    %scan3A_132 = arith.constant 128 : i32
    %add3A_133 = arith.constant 128 : i32
    %add3A_134 = arith.addi %mul3A_2, %add3A_133 : i32
    %multiple_of3A_135 = tpu.assume_multiple %add3A_134, 128 : i32
    %dma_start3A_136 = arith.constant 0 : i32
    %dma_start3A_137 = tpu.memref_slice %arg6[%multiple_of3A_135, %dma_start3A_136] : memref<16384x128xf32, #tpu.memory_space<hbm>> -> memref<128x128xf32, #tpu.memory_space<hbm>>
    %dma_start3A_138 = arith.constant 0 : i32
    %dma_start3A_139 = tpu.memref_slice %arg6[%multiple_of3A_135, %dma_start3A_138] : memref<16384x128xf32, #tpu.memory_space<hbm>> -> memref<128x128xf32, #tpu.memory_space<hbm>>
    tpu.enqueue_dma source(%arg11 : memref<128x128xf32, #tpu.memory_space<vmem>>) target(%dma_start3A_139 : memref<128x128xf32, #tpu.memory_space<hbm>>) target_semaphore(%arg27 : memref<!tpu.dma_semaphore, #tpu.memory_space<semaphore_mem>>)
    %add3A_140 = arith.constant 384 : i32
    %add3A_141 = arith.addi %mul3A_2, %add3A_140 : i32
    %multiple_of3A_142 = tpu.assume_multiple %add3A_141, 128 : i32
    %dma_start3A_143 = arith.constant 0 : i32
    %dma_start3A_144 = tpu.memref_slice %arg2[%multiple_of3A_142, %dma_start3A_143] : memref<16384x128xf32, #tpu.memory_space<hbm>> -> memref<128x128xf32, #tpu.memory_space<hbm>>
    %dma_start3A_145 = arith.constant 0 : i32
    %dma_start3A_146 = tpu.memref_slice %arg2[%multiple_of3A_142, %dma_start3A_145] : memref<16384x128xf32, #tpu.memory_space<hbm>> -> memref<128x128xf32, #tpu.memory_space<hbm>>
    tpu.enqueue_dma source(%dma_start3A_146 : memref<128x128xf32, #tpu.memory_space<hbm>>) target(%arg15 : memref<128x128xf32, #tpu.memory_space<vmem>>) target_semaphore(%arg25 : memref<!tpu.dma_semaphore, #tpu.memory_space<semaphore_mem>>)
    %dma_wait3A_147 = arith.constant 256 : i32
    %dma_wait3A_148 = tpu.memref_slice %arg8[%dma_wait3A_147] : memref<512xf32, #tpu.memory_space<vmem>> -> memref<128xf32, #tpu.memory_space<vmem>>
    %dma_wait3A_149 = arith.constant 256 : i32
    %dma_wait3A_150 = tpu.memref_slice %arg7[%dma_wait3A_149] : memref<512xi32, #tpu.memory_space<vmem>> -> memref<128xi32, #tpu.memory_space<vmem>>
    %dma_wait3A_151 = arith.constant 0 : i32
    %dma_wait3A_152 = tpu.memref_slice %arg4[%dma_wait3A_151] : memref<100000xf32, #tpu.memory_space<hbm>> -> memref<100000xf32, #tpu.memory_space<hbm>>
    tpu.wait_indirect_dma semaphore(%arg22 : memref<!tpu.dma_semaphore, #tpu.memory_space<semaphore_mem>>) src(%dma_wait3A_152 : memref<100000xf32, #tpu.memory_space<hbm>>) dst(%dma_wait3A_148 : memref<128xf32, #tpu.memory_space<vmem>>)
    %scan3A_153 = arith.constant 0 : i32
    %scan3A_154 = arith.constant 0 : i32
    %scan3A_155 = arith.constant 8 : i32
    %scan3A_156 = arith.addi %scan3A_154, %scan3A_155 : i32
    %scan3A_157 = arith.constant 1 : i32
    %scan3A_158 = scf.for %scan3A_235 = %scan3A_154 to %scan3A_156 step %scan3A_157 iter_args(%scan3A_236 = %scan3A_153) -> (i32)  : i32 {
      %mul3A_237 = arith.constant 16 : i32
      %mul3A_238 = arith.muli %scan3A_235, %mul3A_237 : i32
      %add3A_239 = arith.constant 256 : i32
      %add3A_240 = arith.addi %add3A_239, %mul3A_238 : i32
      %get3A = arith.index_cast %add3A_240 : i32 to index
      %get3A_241 = tpu.vector_load %arg8[%get3A] {strides = array<i32>} : memref<512xf32, #tpu.memory_space<vmem>>, vector<16xf32>,
      %get3A_242 = vector.shape_cast %get3A_241 : vector<16xf32> to vector<16xf32>
      %exp3A = math.exp %get3A_242 : vector<16xf32>
      %slice3A = vector.extract_strided_slice %exp3A {offsets = [0], sizes = [1], strides = [1]} : vector<16xf32> to vector<1xf32>
      %squeeze3A = vector.extract %slice3A[0] : f32 from vector<1xf32>
      %broadcast_in_dim3A = vector.broadcast %squeeze3A : f32 to vector<16xf32>
      %mul3A_243 = arith.constant 16 : i32
      %mul3A_244 = arith.muli %scan3A_235, %mul3A_243 : i32
      %add3A_245 = arith.constant 0 : i32
      %add3A_246 = arith.addi %mul3A_244, %add3A_245 : i32
      %swap3A = arith.index_cast %add3A_246 : i32 to index
      %swap3A_247 = arith.constant 0 : index
      %swap3A_248 = tpu.vector_load %arg9[%swap3A, %swap3A_247] {strides = array<i32>} : memref<128x16xf32, #tpu.memory_space<vmem>>, vector<1x16xf32>,
      %swap3A_249 = vector.shape_cast %swap3A_248 : vector<1x16xf32> to vector<16xf32>
      %swap3A_250 = vector.shape_cast %broadcast_in_dim3A : vector<16xf32> to vector<1x16xf32>
      tpu.vector_store %arg9[%swap3A, %swap3A_247], %swap3A_250 {strides = array<i32>} : memref<128x16xf32, #tpu.memory_space<vmem>>, vector<1x16xf32>,
      %slice3A_251 = vector.extract_strided_slice %exp3A {offsets = [1], sizes = [1], strides = [1]} : vector<16xf32> to vector<1xf32>
      %squeeze3A_252 = vector.extract %slice3A_251[0] : f32 from vector<1xf32>
      %broadcast_in_dim3A_253 = vector.broadcast %squeeze3A_252 : f32 to vector<16xf32>
      %mul3A_254 = arith.constant 16 : i32
      %mul3A_255 = arith.muli %scan3A_235, %mul3A_254 : i32
      %add3A_256 = arith.constant 1 : i32
      %add3A_257 = arith.addi %mul3A_255, %add3A_256 : i32
      %swap3A_258 = arith.index_cast %add3A_257 : i32 to index
      %swap3A_259 = arith.constant 0 : index
      %swap3A_260 = tpu.vector_load %arg9[%swap3A_258, %swap3A_259] {strides = array<i32>} : memref<128x16xf32, #tpu.memory_space<vmem>>, vector<1x16xf32>,
      %swap3A_261 = vector.shape_cast %swap3A_260 : vector<1x16xf32> to vector<16xf32>
      %swap3A_262 = vector.shape_cast %broadcast_in_dim3A_253 : vector<16xf32> to vector<1x16xf32>
      tpu.vector_store %arg9[%swap3A_258, %swap3A_259], %swap3A_262 {strides = array<i32>} : memref<128x16xf32, #tpu.memory_space<vmem>>, vector<1x16xf32>,
      %slice3A_263 = vector.extract_strided_slice %exp3A {offsets = [2], sizes = [1], strides = [1]} : vector<16xf32> to vector<1xf32>
      %squeeze3A_264 = vector.extract %slice3A_263[0] : f32 from vector<1xf32>
      %broadcast_in_dim3A_265 = vector.broadcast %squeeze3A_264 : f32 to vector<16xf32>
      %mul3A_266 = arith.constant 16 : i32
      %mul3A_267 = arith.muli %scan3A_235, %mul3A_266 : i32
      %add3A_268 = arith.constant 2 : i32
      %add3A_269 = arith.addi %mul3A_267, %add3A_268 : i32
      %swap3A_270 = arith.index_cast %add3A_269 : i32 to index
      %swap3A_271 = arith.constant 0 : index
      %swap3A_272 = tpu.vector_load %arg9[%swap3A_270, %swap3A_271] {strides = array<i32>} : memref<128x16xf32, #tpu.memory_space<vmem>>, vector<1x16xf32>,
      %swap3A_273 = vector.shape_cast %swap3A_272 : vector<1x16xf32> to vector<16xf32>
      %swap3A_274 = vector.shape_cast %broadcast_in_dim3A_265 : vector<16xf32> to vector<1x16xf32>
      tpu.vector_store %arg9[%swap3A_270, %swap3A_271], %swap3A_274 {strides = array<i32>} : memref<128x16xf32, #tpu.memory_space<vmem>>, vector<1x16xf32>,
      %slice3A_275 = vector.extract_strided_slice %exp3A {offsets = [3], sizes = [1], strides = [1]} : vector<16xf32> to vector<1xf32>
      %squeeze3A_276 = vector.extract %slice3A_275[0] : f32 from vector<1xf32>
      %broadcast_in_dim3A_277 = vector.broadcast %squeeze3A_276 : f32 to vector<16xf32>
      %mul3A_278 = arith.constant 16 : i32
      %mul3A_279 = arith.muli %scan3A_235, %mul3A_278 : i32
      %add3A_280 = arith.constant 3 : i32
      %add3A_281 = arith.addi %mul3A_279, %add3A_280 : i32
      %swap3A_282 = arith.index_cast %add3A_281 : i32 to index
      %swap3A_283 = arith.constant 0 : index
      %swap3A_284 = tpu.vector_load %arg9[%swap3A_282, %swap3A_283] {strides = array<i32>} : memref<128x16xf32, #tpu.memory_space<vmem>>, vector<1x16xf32>,
      %swap3A_285 = vector.shape_cast %swap3A_284 : vector<1x16xf32> to vector<16xf32>
      %swap3A_286 = vector.shape_cast %broadcast_in_dim3A_277 : vector<16xf32> to vector<1x16xf32>
      tpu.vector_store %arg9[%swap3A_282, %swap3A_283], %swap3A_286 {strides = array<i32>} : memref<128x16xf32, #tpu.memory_space<vmem>>, vector<1x16xf32>,
      %slice3A_287 = vector.extract_strided_slice %exp3A {offsets = [4], sizes = [1], strides = [1]} : vector<16xf32> to vector<1xf32>
      %squeeze3A_288 = vector.extract %slice3A_287[0] : f32 from vector<1xf32>
      %broadcast_in_dim3A_289 = vector.broadcast %squeeze3A_288 : f32 to vector<16xf32>
      %mul3A_290 = arith.constant 16 : i32
      %mul3A_291 = arith.muli %scan3A_235, %mul3A_290 : i32
      %add3A_292 = arith.constant 4 : i32
      %add3A_293 = arith.addi %mul3A_291, %add3A_292 : i32
      %swap3A_294 = arith.index_cast %add3A_293 : i32 to index
      %swap3A_295 = arith.constant 0 : index
      %swap3A_296 = tpu.vector_load %arg9[%swap3A_294, %swap3A_295] {strides = array<i32>} : memref<128x16xf32, #tpu.memory_space<vmem>>, vector<1x16xf32>,
      %swap3A_297 = vector.shape_cast %swap3A_296 : vector<1x16xf32> to vector<16xf32>
      %swap3A_298 = vector.shape_cast %broadcast_in_dim3A_289 : vector<16xf32> to vector<1x16xf32>
      tpu.vector_store %arg9[%swap3A_294, %swap3A_295], %swap3A_298 {strides = array<i32>} : memref<128x16xf32, #tpu.memory_space<vmem>>, vector<1x16xf32>,
      %slice3A_299 = vector.extract_strided_slice %exp3A {offsets = [5], sizes = [1], strides = [1]} : vector<16xf32> to vector<1xf32>
      %squeeze3A_300 = vector.extract %slice3A_299[0] : f32 from vector<1xf32>
      %broadcast_in_dim3A_301 = vector.broadcast %squeeze3A_300 : f32 to vector<16xf32>
      %mul3A_302 = arith.constant 16 : i32
      %mul3A_303 = arith.muli %scan3A_235, %mul3A_302 : i32
      %add3A_304 = arith.constant 5 : i32
      %add3A_305 = arith.addi %mul3A_303, %add3A_304 : i32
      %swap3A_306 = arith.index_cast %add3A_305 : i32 to index
      %swap3A_307 = arith.constant 0 : index
      %swap3A_308 = tpu.vector_load %arg9[%swap3A_306, %swap3A_307] {strides = array<i32>} : memref<128x16xf32, #tpu.memory_space<vmem>>, vector<1x16xf32>,
      %swap3A_309 = vector.shape_cast %swap3A_308 : vector<1x16xf32> to vector<16xf32>
      %swap3A_310 = vector.shape_cast %broadcast_in_dim3A_301 : vector<16xf32> to vector<1x16xf32>
      tpu.vector_store %arg9[%swap3A_306, %swap3A_307], %swap3A_310 {strides = array<i32>} : memref<128x16xf32, #tpu.memory_space<vmem>>, vector<1x16xf32>,
      %slice3A_311 = vector.extract_strided_slice %exp3A {offsets = [6], sizes = [1], strides = [1]} : vector<16xf32> to vector<1xf32>
      %squeeze3A_312 = vector.extract %slice3A_311[0] : f32 from vector<1xf32>
      %broadcast_in_dim3A_313 = vector.broadcast %squeeze3A_312 : f32 to vector<16xf32>
      %mul3A_314 = arith.constant 16 : i32
      %mul3A_315 = arith.muli %scan3A_235, %mul3A_314 : i32
      %add3A_316 = arith.constant 6 : i32
      %add3A_317 = arith.addi %mul3A_315, %add3A_316 : i32
      %swap3A_318 = arith.index_cast %add3A_317 : i32 to index
      %swap3A_319 = arith.constant 0 : index
      %swap3A_320 = tpu.vector_load %arg9[%swap3A_318, %swap3A_319] {strides = array<i32>} : memref<128x16xf32, #tpu.memory_space<vmem>>, vector<1x16xf32>,
      %swap3A_321 = vector.shape_cast %swap3A_320 : vector<1x16xf32> to vector<16xf32>
      %swap3A_322 = vector.shape_cast %broadcast_in_dim3A_313 : vector<16xf32> to vector<1x16xf32>
      tpu.vector_store %arg9[%swap3A_318, %swap3A_319], %swap3A_322 {strides = array<i32>} : memref<128x16xf32, #tpu.memory_space<vmem>>, vector<1x16xf32>,
      %slice3A_323 = vector.extract_strided_slice %exp3A {offsets = [7], sizes = [1], strides = [1]} : vector<16xf32> to vector<1xf32>
      %squeeze3A_324 = vector.extract %slice3A_323[0] : f32 from vector<1xf32>
      %broadcast_in_dim3A_325 = vector.broadcast %squeeze3A_324 : f32 to vector<16xf32>
      %mul3A_326 = arith.constant 16 : i32
      %mul3A_327 = arith.muli %scan3A_235, %mul3A_326 : i32
      %add3A_328 = arith.constant 7 : i32
      %add3A_329 = arith.addi %mul3A_327, %add3A_328 : i32
      %swap3A_330 = arith.index_cast %add3A_329 : i32 to index
      %swap3A_331 = arith.constant 0 : index
      %swap3A_332 = tpu.vector_load %arg9[%swap3A_330, %swap3A_331] {strides = array<i32>} : memref<128x16xf32, #tpu.memory_space<vmem>>, vector<1x16xf32>,
      %swap3A_333 = vector.shape_cast %swap3A_332 : vector<1x16xf32> to vector<16xf32>
      %swap3A_334 = vector.shape_cast %broadcast_in_dim3A_325 : vector<16xf32> to vector<1x16xf32>
      tpu.vector_store %arg9[%swap3A_330, %swap3A_331], %swap3A_334 {strides = array<i32>} : memref<128x16xf32, #tpu.memory_space<vmem>>, vector<1x16xf32>,
      %slice3A_335 = vector.extract_strided_slice %exp3A {offsets = [8], sizes = [1], strides = [1]} : vector<16xf32> to vector<1xf32>
      %squeeze3A_336 = vector.extract %slice3A_335[0] : f32 from vector<1xf32>
      %broadcast_in_dim3A_337 = vector.broadcast %squeeze3A_336 : f32 to vector<16xf32>
      %mul3A_338 = arith.constant 16 : i32
      %mul3A_339 = arith.muli %scan3A_235, %mul3A_338 : i32
      %add3A_340 = arith.constant 8 : i32
      %add3A_341 = arith.addi %mul3A_339, %add3A_340 : i32
      %swap3A_342 = arith.index_cast %add3A_341 : i32 to index
      %swap3A_343 = arith.constant 0 : index
      %swap3A_344 = tpu.vector_load %arg9[%swap3A_342, %swap3A_343] {strides = array<i32>} : memref<128x16xf32, #tpu.memory_space<vmem>>, vector<1x16xf32>,
      %swap3A_345 = vector.shape_cast %swap3A_344 : vector<1x16xf32> to vector<16xf32>
      %swap3A_346 = vector.shape_cast %broadcast_in_dim3A_337 : vector<16xf32> to vector<1x16xf32>
      tpu.vector_store %arg9[%swap3A_342, %swap3A_343], %swap3A_346 {strides = array<i32>} : memref<128x16xf32, #tpu.memory_space<vmem>>, vector<1x16xf32>,
      %slice3A_347 = vector.extract_strided_slice %exp3A {offsets = [9], sizes = [1], strides = [1]} : vector<16xf32> to vector<1xf32>
      %squeeze3A_348 = vector.extract %slice3A_347[0] : f32 from vector<1xf32>
      %broadcast_in_dim3A_349 = vector.broadcast %squeeze3A_348 : f32 to vector<16xf32>
      %mul3A_350 = arith.constant 16 : i32
      %mul3A_351 = arith.muli %scan3A_235, %mul3A_350 : i32
      %add3A_352 = arith.constant 9 : i32
      %add3A_353 = arith.addi %mul3A_351, %add3A_352 : i32
      %swap3A_354 = arith.index_cast %add3A_353 : i32 to index
      %swap3A_355 = arith.constant 0 : index
      %swap3A_356 = tpu.vector_load %arg9[%swap3A_354, %swap3A_355] {strides = array<i32>} : memref<128x16xf32, #tpu.memory_space<vmem>>, vector<1x16xf32>,
      %swap3A_357 = vector.shape_cast %swap3A_356 : vector<1x16xf32> to vector<16xf32>
      %swap3A_358 = vector.shape_cast %broadcast_in_dim3A_349 : vector<16xf32> to vector<1x16xf32>
      tpu.vector_store %arg9[%swap3A_354, %swap3A_355], %swap3A_358 {strides = array<i32>} : memref<128x16xf32, #tpu.memory_space<vmem>>, vector<1x16xf32>,
      %slice3A_359 = vector.extract_strided_slice %exp3A {offsets = [10], sizes = [1], strides = [1]} : vector<16xf32> to vector<1xf32>
      %squeeze3A_360 = vector.extract %slice3A_359[0] : f32 from vector<1xf32>
      %broadcast_in_dim3A_361 = vector.broadcast %squeeze3A_360 : f32 to vector<16xf32>
      %mul3A_362 = arith.constant 16 : i32
      %mul3A_363 = arith.muli %scan3A_235, %mul3A_362 : i32
      %add3A_364 = arith.constant 10 : i32
      %add3A_365 = arith.addi %mul3A_363, %add3A_364 : i32
      %swap3A_366 = arith.index_cast %add3A_365 : i32 to index
      %swap3A_367 = arith.constant 0 : index
      %swap3A_368 = tpu.vector_load %arg9[%swap3A_366, %swap3A_367] {strides = array<i32>} : memref<128x16xf32, #tpu.memory_space<vmem>>, vector<1x16xf32>,
      %swap3A_369 = vector.shape_cast %swap3A_368 : vector<1x16xf32> to vector<16xf32>
      %swap3A_370 = vector.shape_cast %broadcast_in_dim3A_361 : vector<16xf32> to vector<1x16xf32>
      tpu.vector_store %arg9[%swap3A_366, %swap3A_367], %swap3A_370 {strides = array<i32>} : memref<128x16xf32, #tpu.memory_space<vmem>>, vector<1x16xf32>,
      %slice3A_371 = vector.extract_strided_slice %exp3A {offsets = [11], sizes = [1], strides = [1]} : vector<16xf32> to vector<1xf32>
      %squeeze3A_372 = vector.extract %slice3A_371[0] : f32 from vector<1xf32>
      %broadcast_in_dim3A_373 = vector.broadcast %squeeze3A_372 : f32 to vector<16xf32>
      %mul3A_374 = arith.constant 16 : i32
      %mul3A_375 = arith.muli %scan3A_235, %mul3A_374 : i32
      %add3A_376 = arith.constant 11 : i32
      %add3A_377 = arith.addi %mul3A_375, %add3A_376 : i32
      %swap3A_378 = arith.index_cast %add3A_377 : i32 to index
      %swap3A_379 = arith.constant 0 : index
      %swap3A_380 = tpu.vector_load %arg9[%swap3A_378, %swap3A_379] {strides = array<i32>} : memref<128x16xf32, #tpu.memory_space<vmem>>, vector<1x16xf32>,
      %swap3A_381 = vector.shape_cast %swap3A_380 : vector<1x16xf32> to vector<16xf32>
      %swap3A_382 = vector.shape_cast %broadcast_in_dim3A_373 : vector<16xf32> to vector<1x16xf32>
      tpu.vector_store %arg9[%swap3A_378, %swap3A_379], %swap3A_382 {strides = array<i32>} : memref<128x16xf32, #tpu.memory_space<vmem>>, vector<1x16xf32>,
      %slice3A_383 = vector.extract_strided_slice %exp3A {offsets = [12], sizes = [1], strides = [1]} : vector<16xf32> to vector<1xf32>
      %squeeze3A_384 = vector.extract %slice3A_383[0] : f32 from vector<1xf32>
      %broadcast_in_dim3A_385 = vector.broadcast %squeeze3A_384 : f32 to vector<16xf32>
      %mul3A_386 = arith.constant 16 : i32
      %mul3A_387 = arith.muli %scan3A_235, %mul3A_386 : i32
      %add3A_388 = arith.constant 12 : i32
      %add3A_389 = arith.addi %mul3A_387, %add3A_388 : i32
      %swap3A_390 = arith.index_cast %add3A_389 : i32 to index
      %swap3A_391 = arith.constant 0 : index
      %swap3A_392 = tpu.vector_load %arg9[%swap3A_390, %swap3A_391] {strides = array<i32>} : memref<128x16xf32, #tpu.memory_space<vmem>>, vector<1x16xf32>,
      %swap3A_393 = vector.shape_cast %swap3A_392 : vector<1x16xf32> to vector<16xf32>
      %swap3A_394 = vector.shape_cast %broadcast_in_dim3A_385 : vector<16xf32> to vector<1x16xf32>
      tpu.vector_store %arg9[%swap3A_390, %swap3A_391], %swap3A_394 {strides = array<i32>} : memref<128x16xf32, #tpu.memory_space<vmem>>, vector<1x16xf32>,
      %slice3A_395 = vector.extract_strided_slice %exp3A {offsets = [13], sizes = [1], strides = [1]} : vector<16xf32> to vector<1xf32>
      %squeeze3A_396 = vector.extract %slice3A_395[0] : f32 from vector<1xf32>
      %broadcast_in_dim3A_397 = vector.broadcast %squeeze3A_396 : f32 to vector<16xf32>
      %mul3A_398 = arith.constant 16 : i32
      %mul3A_399 = arith.muli %scan3A_235, %mul3A_398 : i32
      %add3A_400 = arith.constant 13 : i32
      %add3A_401 = arith.addi %mul3A_399, %add3A_400 : i32
      %swap3A_402 = arith.index_cast %add3A_401 : i32 to index
      %swap3A_403 = arith.constant 0 : index
      %swap3A_404 = tpu.vector_load %arg9[%swap3A_402, %swap3A_403] {strides = array<i32>} : memref<128x16xf32, #tpu.memory_space<vmem>>, vector<1x16xf32>,
      %swap3A_405 = vector.shape_cast %swap3A_404 : vector<1x16xf32> to vector<16xf32>
      %swap3A_406 = vector.shape_cast %broadcast_in_dim3A_397 : vector<16xf32> to vector<1x16xf32>
      tpu.vector_store %arg9[%swap3A_402, %swap3A_403], %swap3A_406 {strides = array<i32>} : memref<128x16xf32, #tpu.memory_space<vmem>>, vector<1x16xf32>,
      %slice3A_407 = vector.extract_strided_slice %exp3A {offsets = [14], sizes = [1], strides = [1]} : vector<16xf32> to vector<1xf32>
      %squeeze3A_408 = vector.extract %slice3A_407[0] : f32 from vector<1xf32>
      %broadcast_in_dim3A_409 = vector.broadcast %squeeze3A_408 : f32 to vector<16xf32>
      %mul3A_410 = arith.constant 16 : i32
      %mul3A_411 = arith.muli %scan3A_235, %mul3A_410 : i32
      %add3A_412 = arith.constant 14 : i32
      %add3A_413 = arith.addi %mul3A_411, %add3A_412 : i32
      %swap3A_414 = arith.index_cast %add3A_413 : i32 to index
      %swap3A_415 = arith.constant 0 : index
      %swap3A_416 = tpu.vector_load %arg9[%swap3A_414, %swap3A_415] {strides = array<i32>} : memref<128x16xf32, #tpu.memory_space<vmem>>, vector<1x16xf32>,
      %swap3A_417 = vector.shape_cast %swap3A_416 : vector<1x16xf32> to vector<16xf32>
      %swap3A_418 = vector.shape_cast %broadcast_in_dim3A_409 : vector<16xf32> to vector<1x16xf32>
      tpu.vector_store %arg9[%swap3A_414, %swap3A_415], %swap3A_418 {strides = array<i32>} : memref<128x16xf32, #tpu.memory_space<vmem>>, vector<1x16xf32>,
      %slice3A_419 = vector.extract_strided_slice %exp3A {offsets = [15], sizes = [1], strides = [1]} : vector<16xf32> to vector<1xf32>
      %squeeze3A_420 = vector.extract %slice3A_419[0] : f32 from vector<1xf32>
      %broadcast_in_dim3A_421 = vector.broadcast %squeeze3A_420 : f32 to vector<16xf32>
      %mul3A_422 = arith.constant 16 : i32
      %mul3A_423 = arith.muli %scan3A_235, %mul3A_422 : i32
      %add3A_424 = arith.constant 15 : i32
      %add3A_425 = arith.addi %mul3A_423, %add3A_424 : i32
      %swap3A_426 = arith.index_cast %add3A_425 : i32 to index
      %swap3A_427 = arith.constant 0 : index
      %swap3A_428 = tpu.vector_load %arg9[%swap3A_426, %swap3A_427] {strides = array<i32>} : memref<128x16xf32, #tpu.memory_space<vmem>>, vector<1x16xf32>,
      %swap3A_429 = vector.shape_cast %swap3A_428 : vector<1x16xf32> to vector<16xf32>
      %swap3A_430 = vector.shape_cast %broadcast_in_dim3A_421 : vector<16xf32> to vector<1x16xf32>
      tpu.vector_store %arg9[%swap3A_426, %swap3A_427], %swap3A_430 {strides = array<i32>} : memref<128x16xf32, #tpu.memory_space<vmem>>, vector<1x16xf32>,
      %scan3A_431 = arith.constant 0 : i32
      scf.yield %scan3A_431 : i32
    }
    %scan3A_159 = arith.constant 8 : i32
    %dma_wait3A_160 = arith.constant 256 : i32
    %dma_wait3A_161 = tpu.memref_slice %arg7[%dma_wait3A_160] : memref<512xi32, #tpu.memory_space<vmem>> -> memref<128xi32, #tpu.memory_space<vmem>>
    %dma_wait3A_162 = arith.constant 0 : i32
    %dma_wait3A_163 = arith.constant 0 : i32
    %dma_wait3A_164 = tpu.memref_slice %arg5[%dma_wait3A_162, %dma_wait3A_163] : memref<100000x128xf32, #tpu.memory_space<hbm>> -> memref<100000x128xf32, #tpu.memory_space<hbm>>
    tpu.wait_indirect_dma semaphore(%arg18 : memref<!tpu.dma_semaphore, #tpu.memory_space<semaphore_mem>>) src(%dma_wait3A_164 : memref<100000x128xf32, #tpu.memory_space<hbm>>) dst(%arg12 : memref<128x128xf32, #tpu.memory_space<vmem>>)
    %dma_wait3A_165 = arith.constant 0 : i32
    %dma_wait3A_166 = tpu.memref_slice %arg2[%multiple_of3A_99, %dma_wait3A_165] : memref<16384x128xf32, #tpu.memory_space<hbm>> -> memref<128x128xf32, #tpu.memory_space<hbm>>
    %dma_wait3A_167 = arith.constant 0 : i32
    %dma_wait3A_168 = tpu.memref_slice %arg2[%multiple_of3A_99, %dma_wait3A_167] : memref<16384x128xf32, #tpu.memory_space<hbm>> -> memref<128x128xf32, #tpu.memory_space<hbm>>
    tpu.wait_dma2 semaphore(%arg24 : memref<!tpu.dma_semaphore, #tpu.memory_space<semaphore_mem>>) src(%dma_wait3A_168 : memref<128x128xf32, #tpu.memory_space<hbm>>) dst(%arg14 : memref<128x128xf32, #tpu.memory_space<vmem>>)
    %scan3A_169 = arith.constant 0 : i32
    %scan3A_170 = arith.constant 0 : i32
    %scan3A_171 = arith.constant 128 : i32
    %scan3A_172 = arith.addi %scan3A_170, %scan3A_171 : i32
    %scan3A_173 = arith.constant 1 : i32
    %scan3A_174 = scf.for %scan3A_235 = %scan3A_170 to %scan3A_172 step %scan3A_173 iter_args(%scan3A_236 = %scan3A_169) -> (i32)  : i32 {
      %get3A = arith.index_cast %scan3A_235 : i32 to index
      %get3A_237 = arith.constant 0 : index
      %get3A_238 = tpu.vector_load %arg9[%get3A, %get3A_237] {strides = array<i32>} : memref<128x16xf32, #tpu.memory_space<vmem>>, vector<1x16xf32>,
      %get3A_239 = vector.shape_cast %get3A_238 : vector<1x16xf32> to vector<16xf32>
      %get3A_240 = arith.index_cast %scan3A_235 : i32 to index
      %get3A_241 = arith.constant 0 : index
      %get3A_242 = tpu.vector_load %arg14[%get3A_240, %get3A_241] {strides = array<i32>} : memref<128x128xf32, #tpu.memory_space<vmem>>, vector<1x16xf32>,
      %get3A_243 = vector.shape_cast %get3A_242 : vector<1x16xf32> to vector<16xf32>
      %mul3A_244 = arith.mulf %get3A_243, %get3A_239 : vector<16xf32>
      %swap3A = arith.index_cast %scan3A_235 : i32 to index
      %swap3A_245 = arith.constant 0 : index
      %swap3A_246 = tpu.vector_load %arg12[%swap3A, %swap3A_245] {strides = array<i32>} : memref<128x128xf32, #tpu.memory_space<vmem>>, vector<1x16xf32>,
      %swap3A_247 = vector.shape_cast %swap3A_246 : vector<1x16xf32> to vector<16xf32>
      %swap3A_248 = vector.shape_cast %mul3A_244 : vector<16xf32> to vector<1x16xf32>
      tpu.vector_store %arg12[%swap3A, %swap3A_245], %swap3A_248 {add = true, strides = array<i32>} : memref<128x128xf32, #tpu.memory_space<vmem>>, vector<1x16xf32>,
      %get3A_249 = arith.index_cast %scan3A_235 : i32 to index
      %get3A_250 = arith.constant 16 : index
      %get3A_251 = tpu.vector_load %arg14[%get3A_249, %get3A_250] {strides = array<i32>} : memref<128x128xf32, #tpu.memory_space<vmem>>, vector<1x16xf32>,
      %get3A_252 = vector.shape_cast %get3A_251 : vector<1x16xf32> to vector<16xf32>
      %mul3A_253 = arith.mulf %get3A_252, %get3A_239 : vector<16xf32>
      %swap3A_254 = arith.index_cast %scan3A_235 : i32 to index
      %swap3A_255 = arith.constant 16 : index
      %swap3A_256 = tpu.vector_load %arg12[%swap3A_254, %swap3A_255] {strides = array<i32>} : memref<128x128xf32, #tpu.memory_space<vmem>>, vector<1x16xf32>,
      %swap3A_257 = vector.shape_cast %swap3A_256 : vector<1x16xf32> to vector<16xf32>
      %swap3A_258 = vector.shape_cast %mul3A_253 : vector<16xf32> to vector<1x16xf32>
      tpu.vector_store %arg12[%swap3A_254, %swap3A_255], %swap3A_258 {add = true, strides = array<i32>} : memref<128x128xf32, #tpu.memory_space<vmem>>, vector<1x16xf32>,
      %get3A_259 = arith.index_cast %scan3A_235 : i32 to index
      %get3A_260 = arith.constant 32 : index
      %get3A_261 = tpu.vector_load %arg14[%get3A_259, %get3A_260] {strides = array<i32>} : memref<128x128xf32, #tpu.memory_space<vmem>>, vector<1x16xf32>,
      %get3A_262 = vector.shape_cast %get3A_261 : vector<1x16xf32> to vector<16xf32>
      %mul3A_263 = arith.mulf %get3A_262, %get3A_239 : vector<16xf32>
      %swap3A_264 = arith.index_cast %scan3A_235 : i32 to index
      %swap3A_265 = arith.constant 32 : index
      %swap3A_266 = tpu.vector_load %arg12[%swap3A_264, %swap3A_265] {strides = array<i32>} : memref<128x128xf32, #tpu.memory_space<vmem>>, vector<1x16xf32>,
      %swap3A_267 = vector.shape_cast %swap3A_266 : vector<1x16xf32> to vector<16xf32>
      %swap3A_268 = vector.shape_cast %mul3A_263 : vector<16xf32> to vector<1x16xf32>
      tpu.vector_store %arg12[%swap3A_264, %swap3A_265], %swap3A_268 {add = true, strides = array<i32>} : memref<128x128xf32, #tpu.memory_space<vmem>>, vector<1x16xf32>,
      %get3A_269 = arith.index_cast %scan3A_235 : i32 to index
      %get3A_270 = arith.constant 48 : index
      %get3A_271 = tpu.vector_load %arg14[%get3A_269, %get3A_270] {strides = array<i32>} : memref<128x128xf32, #tpu.memory_space<vmem>>, vector<1x16xf32>,
      %get3A_272 = vector.shape_cast %get3A_271 : vector<1x16xf32> to vector<16xf32>
      %mul3A_273 = arith.mulf %get3A_272, %get3A_239 : vector<16xf32>
      %swap3A_274 = arith.index_cast %scan3A_235 : i32 to index
      %swap3A_275 = arith.constant 48 : index
      %swap3A_276 = tpu.vector_load %arg12[%swap3A_274, %swap3A_275] {strides = array<i32>} : memref<128x128xf32, #tpu.memory_space<vmem>>, vector<1x16xf32>,
      %swap3A_277 = vector.shape_cast %swap3A_276 : vector<1x16xf32> to vector<16xf32>
      %swap3A_278 = vector.shape_cast %mul3A_273 : vector<16xf32> to vector<1x16xf32>
      tpu.vector_store %arg12[%swap3A_274, %swap3A_275], %swap3A_278 {add = true, strides = array<i32>} : memref<128x128xf32, #tpu.memory_space<vmem>>, vector<1x16xf32>,
      %get3A_279 = arith.index_cast %scan3A_235 : i32 to index
      %get3A_280 = arith.constant 64 : index
      %get3A_281 = tpu.vector_load %arg14[%get3A_279, %get3A_280] {strides = array<i32>} : memref<128x128xf32, #tpu.memory_space<vmem>>, vector<1x16xf32>,
      %get3A_282 = vector.shape_cast %get3A_281 : vector<1x16xf32> to vector<16xf32>
      %mul3A_283 = arith.mulf %get3A_282, %get3A_239 : vector<16xf32>
      %swap3A_284 = arith.index_cast %scan3A_235 : i32 to index
      %swap3A_285 = arith.constant 64 : index
      %swap3A_286 = tpu.vector_load %arg12[%swap3A_284, %swap3A_285] {strides = array<i32>} : memref<128x128xf32, #tpu.memory_space<vmem>>, vector<1x16xf32>,
      %swap3A_287 = vector.shape_cast %swap3A_286 : vector<1x16xf32> to vector<16xf32>
      %swap3A_288 = vector.shape_cast %mul3A_283 : vector<16xf32> to vector<1x16xf32>
      tpu.vector_store %arg12[%swap3A_284, %swap3A_285], %swap3A_288 {add = true, strides = array<i32>} : memref<128x128xf32, #tpu.memory_space<vmem>>, vector<1x16xf32>,
      %get3A_289 = arith.index_cast %scan3A_235 : i32 to index
      %get3A_290 = arith.constant 80 : index
      %get3A_291 = tpu.vector_load %arg14[%get3A_289, %get3A_290] {strides = array<i32>} : memref<128x128xf32, #tpu.memory_space<vmem>>, vector<1x16xf32>,
      %get3A_292 = vector.shape_cast %get3A_291 : vector<1x16xf32> to vector<16xf32>
      %mul3A_293 = arith.mulf %get3A_292, %get3A_239 : vector<16xf32>
      %swap3A_294 = arith.index_cast %scan3A_235 : i32 to index
      %swap3A_295 = arith.constant 80 : index
      %swap3A_296 = tpu.vector_load %arg12[%swap3A_294, %swap3A_295] {strides = array<i32>} : memref<128x128xf32, #tpu.memory_space<vmem>>, vector<1x16xf32>,
      %swap3A_297 = vector.shape_cast %swap3A_296 : vector<1x16xf32> to vector<16xf32>
      %swap3A_298 = vector.shape_cast %mul3A_293 : vector<16xf32> to vector<1x16xf32>
      tpu.vector_store %arg12[%swap3A_294, %swap3A_295], %swap3A_298 {add = true, strides = array<i32>} : memref<128x128xf32, #tpu.memory_space<vmem>>, vector<1x16xf32>,
      %get3A_299 = arith.index_cast %scan3A_235 : i32 to index
      %get3A_300 = arith.constant 96 : index
      %get3A_301 = tpu.vector_load %arg14[%get3A_299, %get3A_300] {strides = array<i32>} : memref<128x128xf32, #tpu.memory_space<vmem>>, vector<1x16xf32>,
      %get3A_302 = vector.shape_cast %get3A_301 : vector<1x16xf32> to vector<16xf32>
      %mul3A_303 = arith.mulf %get3A_302, %get3A_239 : vector<16xf32>
      %swap3A_304 = arith.index_cast %scan3A_235 : i32 to index
      %swap3A_305 = arith.constant 96 : index
      %swap3A_306 = tpu.vector_load %arg12[%swap3A_304, %swap3A_305] {strides = array<i32>} : memref<128x128xf32, #tpu.memory_space<vmem>>, vector<1x16xf32>,
      %swap3A_307 = vector.shape_cast %swap3A_306 : vector<1x16xf32> to vector<16xf32>
      %swap3A_308 = vector.shape_cast %mul3A_303 : vector<16xf32> to vector<1x16xf32>
      tpu.vector_store %arg12[%swap3A_304, %swap3A_305], %swap3A_308 {add = true, strides = array<i32>} : memref<128x128xf32, #tpu.memory_space<vmem>>, vector<1x16xf32>,
      %get3A_309 = arith.index_cast %scan3A_235 : i32 to index
      %get3A_310 = arith.constant 112 : index
      %get3A_311 = tpu.vector_load %arg14[%get3A_309, %get3A_310] {strides = array<i32>} : memref<128x128xf32, #tpu.memory_space<vmem>>, vector<1x16xf32>,
      %get3A_312 = vector.shape_cast %get3A_311 : vector<1x16xf32> to vector<16xf32>
      %mul3A_313 = arith.mulf %get3A_312, %get3A_239 : vector<16xf32>
      %swap3A_314 = arith.index_cast %scan3A_235 : i32 to index
      %swap3A_315 = arith.constant 112 : index
      %swap3A_316 = tpu.vector_load %arg12[%swap3A_314, %swap3A_315] {strides = array<i32>} : memref<128x128xf32, #tpu.memory_space<vmem>>, vector<1x16xf32>,
      %swap3A_317 = vector.shape_cast %swap3A_316 : vector<1x16xf32> to vector<16xf32>
      %swap3A_318 = vector.shape_cast %mul3A_313 : vector<16xf32> to vector<1x16xf32>
      tpu.vector_store %arg12[%swap3A_314, %swap3A_315], %swap3A_318 {add = true, strides = array<i32>} : memref<128x128xf32, #tpu.memory_space<vmem>>, vector<1x16xf32>,
      %scan3A_319 = arith.constant 0 : i32
      scf.yield %scan3A_319 : i32
    }
    %scan3A_175 = arith.constant 128 : i32
    %add3A_176 = arith.constant 256 : i32
    %add3A_177 = arith.addi %mul3A_2, %add3A_176 : i32
    %multiple_of3A_178 = tpu.assume_multiple %add3A_177, 128 : i32
    %dma_start3A_179 = arith.constant 0 : i32
    %dma_start3A_180 = tpu.memref_slice %arg6[%multiple_of3A_178, %dma_start3A_179] : memref<16384x128xf32, #tpu.memory_space<hbm>> -> memref<128x128xf32, #tpu.memory_space<hbm>>
    %dma_start3A_181 = arith.constant 0 : i32
    %dma_start3A_182 = tpu.memref_slice %arg6[%multiple_of3A_178, %dma_start3A_181] : memref<16384x128xf32, #tpu.memory_space<hbm>> -> memref<128x128xf32, #tpu.memory_space<hbm>>
    tpu.enqueue_dma source(%arg12 : memref<128x128xf32, #tpu.memory_space<vmem>>) target(%dma_start3A_182 : memref<128x128xf32, #tpu.memory_space<hbm>>) target_semaphore(%arg28 : memref<!tpu.dma_semaphore, #tpu.memory_space<semaphore_mem>>)
    %dma_wait3A_183 = arith.constant 384 : i32
    %dma_wait3A_184 = tpu.memref_slice %arg8[%dma_wait3A_183] : memref<512xf32, #tpu.memory_space<vmem>> -> memref<128xf32, #tpu.memory_space<vmem>>
    %dma_wait3A_185 = arith.constant 384 : i32
    %dma_wait3A_186 = tpu.memref_slice %arg7[%dma_wait3A_185] : memref<512xi32, #tpu.memory_space<vmem>> -> memref<128xi32, #tpu.memory_space<vmem>>
    %dma_wait3A_187 = arith.constant 0 : i32
    %dma_wait3A_188 = tpu.memref_slice %arg4[%dma_wait3A_187] : memref<100000xf32, #tpu.memory_space<hbm>> -> memref<100000xf32, #tpu.memory_space<hbm>>
    tpu.wait_indirect_dma semaphore(%arg23 : memref<!tpu.dma_semaphore, #tpu.memory_space<semaphore_mem>>) src(%dma_wait3A_188 : memref<100000xf32, #tpu.memory_space<hbm>>) dst(%dma_wait3A_184 : memref<128xf32, #tpu.memory_space<vmem>>)
    %scan3A_189 = arith.constant 0 : i32
    %scan3A_190 = arith.constant 0 : i32
    %scan3A_191 = arith.constant 8 : i32
    %scan3A_192 = arith.addi %scan3A_190, %scan3A_191 : i32
    %scan3A_193 = arith.constant 1 : i32
    %scan3A_194 = scf.for %scan3A_235 = %scan3A_190 to %scan3A_192 step %scan3A_193 iter_args(%scan3A_236 = %scan3A_189) -> (i32)  : i32 {
      %mul3A_237 = arith.constant 16 : i32
      %mul3A_238 = arith.muli %scan3A_235, %mul3A_237 : i32
      %add3A_239 = arith.constant 384 : i32
      %add3A_240 = arith.addi %add3A_239, %mul3A_238 : i32
      %get3A = arith.index_cast %add3A_240 : i32 to index
      %get3A_241 = tpu.vector_load %arg8[%get3A] {strides = array<i32>} : memref<512xf32, #tpu.memory_space<vmem>>, vector<16xf32>,
      %get3A_242 = vector.shape_cast %get3A_241 : vector<16xf32> to vector<16xf32>
      %exp3A = math.exp %get3A_242 : vector<16xf32>
      %slice3A = vector.extract_strided_slice %exp3A {offsets = [0], sizes = [1], strides = [1]} : vector<16xf32> to vector<1xf32>
      %squeeze3A = vector.extract %slice3A[0] : f32 from vector<1xf32>
      %broadcast_in_dim3A = vector.broadcast %squeeze3A : f32 to vector<16xf32>
      %mul3A_243 = arith.constant 16 : i32
      %mul3A_244 = arith.muli %scan3A_235, %mul3A_243 : i32
      %add3A_245 = arith.constant 0 : i32
      %add3A_246 = arith.addi %mul3A_244, %add3A_245 : i32
      %swap3A = arith.index_cast %add3A_246 : i32 to index
      %swap3A_247 = arith.constant 0 : index
      %swap3A_248 = tpu.vector_load %arg9[%swap3A, %swap3A_247] {strides = array<i32>} : memref<128x16xf32, #tpu.memory_space<vmem>>, vector<1x16xf32>,
      %swap3A_249 = vector.shape_cast %swap3A_248 : vector<1x16xf32> to vector<16xf32>
      %swap3A_250 = vector.shape_cast %broadcast_in_dim3A : vector<16xf32> to vector<1x16xf32>
      tpu.vector_store %arg9[%swap3A, %swap3A_247], %swap3A_250 {strides = array<i32>} : memref<128x16xf32, #tpu.memory_space<vmem>>, vector<1x16xf32>,
      %slice3A_251 = vector.extract_strided_slice %exp3A {offsets = [1], sizes = [1], strides = [1]} : vector<16xf32> to vector<1xf32>
      %squeeze3A_252 = vector.extract %slice3A_251[0] : f32 from vector<1xf32>
      %broadcast_in_dim3A_253 = vector.broadcast %squeeze3A_252 : f32 to vector<16xf32>
      %mul3A_254 = arith.constant 16 : i32
      %mul3A_255 = arith.muli %scan3A_235, %mul3A_254 : i32
      %add3A_256 = arith.constant 1 : i32
      %add3A_257 = arith.addi %mul3A_255, %add3A_256 : i32
      %swap3A_258 = arith.index_cast %add3A_257 : i32 to index
      %swap3A_259 = arith.constant 0 : index
      %swap3A_260 = tpu.vector_load %arg9[%swap3A_258, %swap3A_259] {strides = array<i32>} : memref<128x16xf32, #tpu.memory_space<vmem>>, vector<1x16xf32>,
      %swap3A_261 = vector.shape_cast %swap3A_260 : vector<1x16xf32> to vector<16xf32>
      %swap3A_262 = vector.shape_cast %broadcast_in_dim3A_253 : vector<16xf32> to vector<1x16xf32>
      tpu.vector_store %arg9[%swap3A_258, %swap3A_259], %swap3A_262 {strides = array<i32>} : memref<128x16xf32, #tpu.memory_space<vmem>>, vector<1x16xf32>,
      %slice3A_263 = vector.extract_strided_slice %exp3A {offsets = [2], sizes = [1], strides = [1]} : vector<16xf32> to vector<1xf32>
      %squeeze3A_264 = vector.extract %slice3A_263[0] : f32 from vector<1xf32>
      %broadcast_in_dim3A_265 = vector.broadcast %squeeze3A_264 : f32 to vector<16xf32>
      %mul3A_266 = arith.constant 16 : i32
      %mul3A_267 = arith.muli %scan3A_235, %mul3A_266 : i32
      %add3A_268 = arith.constant 2 : i32
      %add3A_269 = arith.addi %mul3A_267, %add3A_268 : i32
      %swap3A_270 = arith.index_cast %add3A_269 : i32 to index
      %swap3A_271 = arith.constant 0 : index
      %swap3A_272 = tpu.vector_load %arg9[%swap3A_270, %swap3A_271] {strides = array<i32>} : memref<128x16xf32, #tpu.memory_space<vmem>>, vector<1x16xf32>,
      %swap3A_273 = vector.shape_cast %swap3A_272 : vector<1x16xf32> to vector<16xf32>
      %swap3A_274 = vector.shape_cast %broadcast_in_dim3A_265 : vector<16xf32> to vector<1x16xf32>
      tpu.vector_store %arg9[%swap3A_270, %swap3A_271], %swap3A_274 {strides = array<i32>} : memref<128x16xf32, #tpu.memory_space<vmem>>, vector<1x16xf32>,
      %slice3A_275 = vector.extract_strided_slice %exp3A {offsets = [3], sizes = [1], strides = [1]} : vector<16xf32> to vector<1xf32>
      %squeeze3A_276 = vector.extract %slice3A_275[0] : f32 from vector<1xf32>
      %broadcast_in_dim3A_277 = vector.broadcast %squeeze3A_276 : f32 to vector<16xf32>
      %mul3A_278 = arith.constant 16 : i32
      %mul3A_279 = arith.muli %scan3A_235, %mul3A_278 : i32
      %add3A_280 = arith.constant 3 : i32
      %add3A_281 = arith.addi %mul3A_279, %add3A_280 : i32
      %swap3A_282 = arith.index_cast %add3A_281 : i32 to index
      %swap3A_283 = arith.constant 0 : index
      %swap3A_284 = tpu.vector_load %arg9[%swap3A_282, %swap3A_283] {strides = array<i32>} : memref<128x16xf32, #tpu.memory_space<vmem>>, vector<1x16xf32>,
      %swap3A_285 = vector.shape_cast %swap3A_284 : vector<1x16xf32> to vector<16xf32>
      %swap3A_286 = vector.shape_cast %broadcast_in_dim3A_277 : vector<16xf32> to vector<1x16xf32>
      tpu.vector_store %arg9[%swap3A_282, %swap3A_283], %swap3A_286 {strides = array<i32>} : memref<128x16xf32, #tpu.memory_space<vmem>>, vector<1x16xf32>,
      %slice3A_287 = vector.extract_strided_slice %exp3A {offsets = [4], sizes = [1], strides = [1]} : vector<16xf32> to vector<1xf32>
      %squeeze3A_288 = vector.extract %slice3A_287[0] : f32 from vector<1xf32>
      %broadcast_in_dim3A_289 = vector.broadcast %squeeze3A_288 : f32 to vector<16xf32>
      %mul3A_290 = arith.constant 16 : i32
      %mul3A_291 = arith.muli %scan3A_235, %mul3A_290 : i32
      %add3A_292 = arith.constant 4 : i32
      %add3A_293 = arith.addi %mul3A_291, %add3A_292 : i32
      %swap3A_294 = arith.index_cast %add3A_293 : i32 to index
      %swap3A_295 = arith.constant 0 : index
      %swap3A_296 = tpu.vector_load %arg9[%swap3A_294, %swap3A_295] {strides = array<i32>} : memref<128x16xf32, #tpu.memory_space<vmem>>, vector<1x16xf32>,
      %swap3A_297 = vector.shape_cast %swap3A_296 : vector<1x16xf32> to vector<16xf32>
      %swap3A_298 = vector.shape_cast %broadcast_in_dim3A_289 : vector<16xf32> to vector<1x16xf32>
      tpu.vector_store %arg9[%swap3A_294, %swap3A_295], %swap3A_298 {strides = array<i32>} : memref<128x16xf32, #tpu.memory_space<vmem>>, vector<1x16xf32>,
      %slice3A_299 = vector.extract_strided_slice %exp3A {offsets = [5], sizes = [1], strides = [1]} : vector<16xf32> to vector<1xf32>
      %squeeze3A_300 = vector.extract %slice3A_299[0] : f32 from vector<1xf32>
      %broadcast_in_dim3A_301 = vector.broadcast %squeeze3A_300 : f32 to vector<16xf32>
      %mul3A_302 = arith.constant 16 : i32
      %mul3A_303 = arith.muli %scan3A_235, %mul3A_302 : i32
      %add3A_304 = arith.constant 5 : i32
      %add3A_305 = arith.addi %mul3A_303, %add3A_304 : i32
      %swap3A_306 = arith.index_cast %add3A_305 : i32 to index
      %swap3A_307 = arith.constant 0 : index
      %swap3A_308 = tpu.vector_load %arg9[%swap3A_306, %swap3A_307] {strides = array<i32>} : memref<128x16xf32, #tpu.memory_space<vmem>>, vector<1x16xf32>,
      %swap3A_309 = vector.shape_cast %swap3A_308 : vector<1x16xf32> to vector<16xf32>
      %swap3A_310 = vector.shape_cast %broadcast_in_dim3A_301 : vector<16xf32> to vector<1x16xf32>
      tpu.vector_store %arg9[%swap3A_306, %swap3A_307], %swap3A_310 {strides = array<i32>} : memref<128x16xf32, #tpu.memory_space<vmem>>, vector<1x16xf32>,
      %slice3A_311 = vector.extract_strided_slice %exp3A {offsets = [6], sizes = [1], strides = [1]} : vector<16xf32> to vector<1xf32>
      %squeeze3A_312 = vector.extract %slice3A_311[0] : f32 from vector<1xf32>
      %broadcast_in_dim3A_313 = vector.broadcast %squeeze3A_312 : f32 to vector<16xf32>
      %mul3A_314 = arith.constant 16 : i32
      %mul3A_315 = arith.muli %scan3A_235, %mul3A_314 : i32
      %add3A_316 = arith.constant 6 : i32
      %add3A_317 = arith.addi %mul3A_315, %add3A_316 : i32
      %swap3A_318 = arith.index_cast %add3A_317 : i32 to index
      %swap3A_319 = arith.constant 0 : index
      %swap3A_320 = tpu.vector_load %arg9[%swap3A_318, %swap3A_319] {strides = array<i32>} : memref<128x16xf32, #tpu.memory_space<vmem>>, vector<1x16xf32>,
      %swap3A_321 = vector.shape_cast %swap3A_320 : vector<1x16xf32> to vector<16xf32>
      %swap3A_322 = vector.shape_cast %broadcast_in_dim3A_313 : vector<16xf32> to vector<1x16xf32>
      tpu.vector_store %arg9[%swap3A_318, %swap3A_319], %swap3A_322 {strides = array<i32>} : memref<128x16xf32, #tpu.memory_space<vmem>>, vector<1x16xf32>,
      %slice3A_323 = vector.extract_strided_slice %exp3A {offsets = [7], sizes = [1], strides = [1]} : vector<16xf32> to vector<1xf32>
      %squeeze3A_324 = vector.extract %slice3A_323[0] : f32 from vector<1xf32>
      %broadcast_in_dim3A_325 = vector.broadcast %squeeze3A_324 : f32 to vector<16xf32>
      %mul3A_326 = arith.constant 16 : i32
      %mul3A_327 = arith.muli %scan3A_235, %mul3A_326 : i32
      %add3A_328 = arith.constant 7 : i32
      %add3A_329 = arith.addi %mul3A_327, %add3A_328 : i32
      %swap3A_330 = arith.index_cast %add3A_329 : i32 to index
      %swap3A_331 = arith.constant 0 : index
      %swap3A_332 = tpu.vector_load %arg9[%swap3A_330, %swap3A_331] {strides = array<i32>} : memref<128x16xf32, #tpu.memory_space<vmem>>, vector<1x16xf32>,
      %swap3A_333 = vector.shape_cast %swap3A_332 : vector<1x16xf32> to vector<16xf32>
      %swap3A_334 = vector.shape_cast %broadcast_in_dim3A_325 : vector<16xf32> to vector<1x16xf32>
      tpu.vector_store %arg9[%swap3A_330, %swap3A_331], %swap3A_334 {strides = array<i32>} : memref<128x16xf32, #tpu.memory_space<vmem>>, vector<1x16xf32>,
      %slice3A_335 = vector.extract_strided_slice %exp3A {offsets = [8], sizes = [1], strides = [1]} : vector<16xf32> to vector<1xf32>
      %squeeze3A_336 = vector.extract %slice3A_335[0] : f32 from vector<1xf32>
      %broadcast_in_dim3A_337 = vector.broadcast %squeeze3A_336 : f32 to vector<16xf32>
      %mul3A_338 = arith.constant 16 : i32
      %mul3A_339 = arith.muli %scan3A_235, %mul3A_338 : i32
      %add3A_340 = arith.constant 8 : i32
      %add3A_341 = arith.addi %mul3A_339, %add3A_340 : i32
      %swap3A_342 = arith.index_cast %add3A_341 : i32 to index
      %swap3A_343 = arith.constant 0 : index
      %swap3A_344 = tpu.vector_load %arg9[%swap3A_342, %swap3A_343] {strides = array<i32>} : memref<128x16xf32, #tpu.memory_space<vmem>>, vector<1x16xf32>,
      %swap3A_345 = vector.shape_cast %swap3A_344 : vector<1x16xf32> to vector<16xf32>
      %swap3A_346 = vector.shape_cast %broadcast_in_dim3A_337 : vector<16xf32> to vector<1x16xf32>
      tpu.vector_store %arg9[%swap3A_342, %swap3A_343], %swap3A_346 {strides = array<i32>} : memref<128x16xf32, #tpu.memory_space<vmem>>, vector<1x16xf32>,
      %slice3A_347 = vector.extract_strided_slice %exp3A {offsets = [9], sizes = [1], strides = [1]} : vector<16xf32> to vector<1xf32>
      %squeeze3A_348 = vector.extract %slice3A_347[0] : f32 from vector<1xf32>
      %broadcast_in_dim3A_349 = vector.broadcast %squeeze3A_348 : f32 to vector<16xf32>
      %mul3A_350 = arith.constant 16 : i32
      %mul3A_351 = arith.muli %scan3A_235, %mul3A_350 : i32
      %add3A_352 = arith.constant 9 : i32
      %add3A_353 = arith.addi %mul3A_351, %add3A_352 : i32
      %swap3A_354 = arith.index_cast %add3A_353 : i32 to index
      %swap3A_355 = arith.constant 0 : index
      %swap3A_356 = tpu.vector_load %arg9[%swap3A_354, %swap3A_355] {strides = array<i32>} : memref<128x16xf32, #tpu.memory_space<vmem>>, vector<1x16xf32>,
      %swap3A_357 = vector.shape_cast %swap3A_356 : vector<1x16xf32> to vector<16xf32>
      %swap3A_358 = vector.shape_cast %broadcast_in_dim3A_349 : vector<16xf32> to vector<1x16xf32>
      tpu.vector_store %arg9[%swap3A_354, %swap3A_355], %swap3A_358 {strides = array<i32>} : memref<128x16xf32, #tpu.memory_space<vmem>>, vector<1x16xf32>,
      %slice3A_359 = vector.extract_strided_slice %exp3A {offsets = [10], sizes = [1], strides = [1]} : vector<16xf32> to vector<1xf32>
      %squeeze3A_360 = vector.extract %slice3A_359[0] : f32 from vector<1xf32>
      %broadcast_in_dim3A_361 = vector.broadcast %squeeze3A_360 : f32 to vector<16xf32>
      %mul3A_362 = arith.constant 16 : i32
      %mul3A_363 = arith.muli %scan3A_235, %mul3A_362 : i32
      %add3A_364 = arith.constant 10 : i32
      %add3A_365 = arith.addi %mul3A_363, %add3A_364 : i32
      %swap3A_366 = arith.index_cast %add3A_365 : i32 to index
      %swap3A_367 = arith.constant 0 : index
      %swap3A_368 = tpu.vector_load %arg9[%swap3A_366, %swap3A_367] {strides = array<i32>} : memref<128x16xf32, #tpu.memory_space<vmem>>, vector<1x16xf32>,
      %swap3A_369 = vector.shape_cast %swap3A_368 : vector<1x16xf32> to vector<16xf32>
      %swap3A_370 = vector.shape_cast %broadcast_in_dim3A_361 : vector<16xf32> to vector<1x16xf32>
      tpu.vector_store %arg9[%swap3A_366, %swap3A_367], %swap3A_370 {strides = array<i32>} : memref<128x16xf32, #tpu.memory_space<vmem>>, vector<1x16xf32>,
      %slice3A_371 = vector.extract_strided_slice %exp3A {offsets = [11], sizes = [1], strides = [1]} : vector<16xf32> to vector<1xf32>
      %squeeze3A_372 = vector.extract %slice3A_371[0] : f32 from vector<1xf32>
      %broadcast_in_dim3A_373 = vector.broadcast %squeeze3A_372 : f32 to vector<16xf32>
      %mul3A_374 = arith.constant 16 : i32
      %mul3A_375 = arith.muli %scan3A_235, %mul3A_374 : i32
      %add3A_376 = arith.constant 11 : i32
      %add3A_377 = arith.addi %mul3A_375, %add3A_376 : i32
      %swap3A_378 = arith.index_cast %add3A_377 : i32 to index
      %swap3A_379 = arith.constant 0 : index
      %swap3A_380 = tpu.vector_load %arg9[%swap3A_378, %swap3A_379] {strides = array<i32>} : memref<128x16xf32, #tpu.memory_space<vmem>>, vector<1x16xf32>,
      %swap3A_381 = vector.shape_cast %swap3A_380 : vector<1x16xf32> to vector<16xf32>
      %swap3A_382 = vector.shape_cast %broadcast_in_dim3A_373 : vector<16xf32> to vector<1x16xf32>
      tpu.vector_store %arg9[%swap3A_378, %swap3A_379], %swap3A_382 {strides = array<i32>} : memref<128x16xf32, #tpu.memory_space<vmem>>, vector<1x16xf32>,
      %slice3A_383 = vector.extract_strided_slice %exp3A {offsets = [12], sizes = [1], strides = [1]} : vector<16xf32> to vector<1xf32>
      %squeeze3A_384 = vector.extract %slice3A_383[0] : f32 from vector<1xf32>
      %broadcast_in_dim3A_385 = vector.broadcast %squeeze3A_384 : f32 to vector<16xf32>
      %mul3A_386 = arith.constant 16 : i32
      %mul3A_387 = arith.muli %scan3A_235, %mul3A_386 : i32
      %add3A_388 = arith.constant 12 : i32
      %add3A_389 = arith.addi %mul3A_387, %add3A_388 : i32
      %swap3A_390 = arith.index_cast %add3A_389 : i32 to index
      %swap3A_391 = arith.constant 0 : index
      %swap3A_392 = tpu.vector_load %arg9[%swap3A_390, %swap3A_391] {strides = array<i32>} : memref<128x16xf32, #tpu.memory_space<vmem>>, vector<1x16xf32>,
      %swap3A_393 = vector.shape_cast %swap3A_392 : vector<1x16xf32> to vector<16xf32>
      %swap3A_394 = vector.shape_cast %broadcast_in_dim3A_385 : vector<16xf32> to vector<1x16xf32>
      tpu.vector_store %arg9[%swap3A_390, %swap3A_391], %swap3A_394 {strides = array<i32>} : memref<128x16xf32, #tpu.memory_space<vmem>>, vector<1x16xf32>,
      %slice3A_395 = vector.extract_strided_slice %exp3A {offsets = [13], sizes = [1], strides = [1]} : vector<16xf32> to vector<1xf32>
      %squeeze3A_396 = vector.extract %slice3A_395[0] : f32 from vector<1xf32>
      %broadcast_in_dim3A_397 = vector.broadcast %squeeze3A_396 : f32 to vector<16xf32>
      %mul3A_398 = arith.constant 16 : i32
      %mul3A_399 = arith.muli %scan3A_235, %mul3A_398 : i32
      %add3A_400 = arith.constant 13 : i32
      %add3A_401 = arith.addi %mul3A_399, %add3A_400 : i32
      %swap3A_402 = arith.index_cast %add3A_401 : i32 to index
      %swap3A_403 = arith.constant 0 : index
      %swap3A_404 = tpu.vector_load %arg9[%swap3A_402, %swap3A_403] {strides = array<i32>} : memref<128x16xf32, #tpu.memory_space<vmem>>, vector<1x16xf32>,
      %swap3A_405 = vector.shape_cast %swap3A_404 : vector<1x16xf32> to vector<16xf32>
      %swap3A_406 = vector.shape_cast %broadcast_in_dim3A_397 : vector<16xf32> to vector<1x16xf32>
      tpu.vector_store %arg9[%swap3A_402, %swap3A_403], %swap3A_406 {strides = array<i32>} : memref<128x16xf32, #tpu.memory_space<vmem>>, vector<1x16xf32>,
      %slice3A_407 = vector.extract_strided_slice %exp3A {offsets = [14], sizes = [1], strides = [1]} : vector<16xf32> to vector<1xf32>
      %squeeze3A_408 = vector.extract %slice3A_407[0] : f32 from vector<1xf32>
      %broadcast_in_dim3A_409 = vector.broadcast %squeeze3A_408 : f32 to vector<16xf32>
      %mul3A_410 = arith.constant 16 : i32
      %mul3A_411 = arith.muli %scan3A_235, %mul3A_410 : i32
      %add3A_412 = arith.constant 14 : i32
      %add3A_413 = arith.addi %mul3A_411, %add3A_412 : i32
      %swap3A_414 = arith.index_cast %add3A_413 : i32 to index
      %swap3A_415 = arith.constant 0 : index
      %swap3A_416 = tpu.vector_load %arg9[%swap3A_414, %swap3A_415] {strides = array<i32>} : memref<128x16xf32, #tpu.memory_space<vmem>>, vector<1x16xf32>,
      %swap3A_417 = vector.shape_cast %swap3A_416 : vector<1x16xf32> to vector<16xf32>
      %swap3A_418 = vector.shape_cast %broadcast_in_dim3A_409 : vector<16xf32> to vector<1x16xf32>
      tpu.vector_store %arg9[%swap3A_414, %swap3A_415], %swap3A_418 {strides = array<i32>} : memref<128x16xf32, #tpu.memory_space<vmem>>, vector<1x16xf32>,
      %slice3A_419 = vector.extract_strided_slice %exp3A {offsets = [15], sizes = [1], strides = [1]} : vector<16xf32> to vector<1xf32>
      %squeeze3A_420 = vector.extract %slice3A_419[0] : f32 from vector<1xf32>
      %broadcast_in_dim3A_421 = vector.broadcast %squeeze3A_420 : f32 to vector<16xf32>
      %mul3A_422 = arith.constant 16 : i32
      %mul3A_423 = arith.muli %scan3A_235, %mul3A_422 : i32
      %add3A_424 = arith.constant 15 : i32
      %add3A_425 = arith.addi %mul3A_423, %add3A_424 : i32
      %swap3A_426 = arith.index_cast %add3A_425 : i32 to index
      %swap3A_427 = arith.constant 0 : index
      %swap3A_428 = tpu.vector_load %arg9[%swap3A_426, %swap3A_427] {strides = array<i32>} : memref<128x16xf32, #tpu.memory_space<vmem>>, vector<1x16xf32>,
      %swap3A_429 = vector.shape_cast %swap3A_428 : vector<1x16xf32> to vector<16xf32>
      %swap3A_430 = vector.shape_cast %broadcast_in_dim3A_421 : vector<16xf32> to vector<1x16xf32>
      tpu.vector_store %arg9[%swap3A_426, %swap3A_427], %swap3A_430 {strides = array<i32>} : memref<128x16xf32, #tpu.memory_space<vmem>>, vector<1x16xf32>,
      %scan3A_431 = arith.constant 0 : i32
      scf.yield %scan3A_431 : i32
    }
    %scan3A_195 = arith.constant 8 : i32
    %dma_wait3A_196 = arith.constant 384 : i32
    %dma_wait3A_197 = tpu.memref_slice %arg7[%dma_wait3A_196] : memref<512xi32, #tpu.memory_space<vmem>> -> memref<128xi32, #tpu.memory_space<vmem>>
    %dma_wait3A_198 = arith.constant 0 : i32
    %dma_wait3A_199 = arith.constant 0 : i32
    %dma_wait3A_200 = tpu.memref_slice %arg5[%dma_wait3A_198, %dma_wait3A_199] : memref<100000x128xf32, #tpu.memory_space<hbm>> -> memref<100000x128xf32, #tpu.memory_space<hbm>>
    tpu.wait_indirect_dma semaphore(%arg19 : memref<!tpu.dma_semaphore, #tpu.memory_space<semaphore_mem>>) src(%dma_wait3A_200 : memref<100000x128xf32, #tpu.memory_space<hbm>>) dst(%arg13 : memref<128x128xf32, #tpu.memory_space<vmem>>)
    %dma_wait3A_201 = arith.constant 0 : i32
    %dma_wait3A_202 = tpu.memref_slice %arg2[%multiple_of3A_142, %dma_wait3A_201] : memref<16384x128xf32, #tpu.memory_space<hbm>> -> memref<128x128xf32, #tpu.memory_space<hbm>>
    %dma_wait3A_203 = arith.constant 0 : i32
    %dma_wait3A_204 = tpu.memref_slice %arg2[%multiple_of3A_142, %dma_wait3A_203] : memref<16384x128xf32, #tpu.memory_space<hbm>> -> memref<128x128xf32, #tpu.memory_space<hbm>>
    tpu.wait_dma2 semaphore(%arg25 : memref<!tpu.dma_semaphore, #tpu.memory_space<semaphore_mem>>) src(%dma_wait3A_204 : memref<128x128xf32, #tpu.memory_space<hbm>>) dst(%arg15 : memref<128x128xf32, #tpu.memory_space<vmem>>)
    %scan3A_205 = arith.constant 0 : i32
    %scan3A_206 = arith.constant 0 : i32
    %scan3A_207 = arith.constant 128 : i32
    %scan3A_208 = arith.addi %scan3A_206, %scan3A_207 : i32
    %scan3A_209 = arith.constant 1 : i32
    %scan3A_210 = scf.for %scan3A_235 = %scan3A_206 to %scan3A_208 step %scan3A_209 iter_args(%scan3A_236 = %scan3A_205) -> (i32)  : i32 {
      %get3A = arith.index_cast %scan3A_235 : i32 to index
      %get3A_237 = arith.constant 0 : index
      %get3A_238 = tpu.vector_load %arg9[%get3A, %get3A_237] {strides = array<i32>} : memref<128x16xf32, #tpu.memory_space<vmem>>, vector<1x16xf32>,
      %get3A_239 = vector.shape_cast %get3A_238 : vector<1x16xf32> to vector<16xf32>
      %get3A_240 = arith.index_cast %scan3A_235 : i32 to index
      %get3A_241 = arith.constant 0 : index
      %get3A_242 = tpu.vector_load %arg15[%get3A_240, %get3A_241] {strides = array<i32>} : memref<128x128xf32, #tpu.memory_space<vmem>>, vector<1x16xf32>,
      %get3A_243 = vector.shape_cast %get3A_242 : vector<1x16xf32> to vector<16xf32>
      %mul3A_244 = arith.mulf %get3A_243, %get3A_239 : vector<16xf32>
      %swap3A = arith.index_cast %scan3A_235 : i32 to index
      %swap3A_245 = arith.constant 0 : index
      %swap3A_246 = tpu.vector_load %arg13[%swap3A, %swap3A_245] {strides = array<i32>} : memref<128x128xf32, #tpu.memory_space<vmem>>, vector<1x16xf32>,
      %swap3A_247 = vector.shape_cast %swap3A_246 : vector<1x16xf32> to vector<16xf32>
      %swap3A_248 = vector.shape_cast %mul3A_244 : vector<16xf32> to vector<1x16xf32>
      tpu.vector_store %arg13[%swap3A, %swap3A_245], %swap3A_248 {add = true, strides = array<i32>} : memref<128x128xf32, #tpu.memory_space<vmem>>, vector<1x16xf32>,
      %get3A_249 = arith.index_cast %scan3A_235 : i32 to index
      %get3A_250 = arith.constant 16 : index
      %get3A_251 = tpu.vector_load %arg15[%get3A_249, %get3A_250] {strides = array<i32>} : memref<128x128xf32, #tpu.memory_space<vmem>>, vector<1x16xf32>,
      %get3A_252 = vector.shape_cast %get3A_251 : vector<1x16xf32> to vector<16xf32>
      %mul3A_253 = arith.mulf %get3A_252, %get3A_239 : vector<16xf32>
      %swap3A_254 = arith.index_cast %scan3A_235 : i32 to index
      %swap3A_255 = arith.constant 16 : index
      %swap3A_256 = tpu.vector_load %arg13[%swap3A_254, %swap3A_255] {strides = array<i32>} : memref<128x128xf32, #tpu.memory_space<vmem>>, vector<1x16xf32>,
      %swap3A_257 = vector.shape_cast %swap3A_256 : vector<1x16xf32> to vector<16xf32>
      %swap3A_258 = vector.shape_cast %mul3A_253 : vector<16xf32> to vector<1x16xf32>
      tpu.vector_store %arg13[%swap3A_254, %swap3A_255], %swap3A_258 {add = true, strides = array<i32>} : memref<128x128xf32, #tpu.memory_space<vmem>>, vector<1x16xf32>,
      %get3A_259 = arith.index_cast %scan3A_235 : i32 to index
      %get3A_260 = arith.constant 32 : index
      %get3A_261 = tpu.vector_load %arg15[%get3A_259, %get3A_260] {strides = array<i32>} : memref<128x128xf32, #tpu.memory_space<vmem>>, vector<1x16xf32>,
      %get3A_262 = vector.shape_cast %get3A_261 : vector<1x16xf32> to vector<16xf32>
      %mul3A_263 = arith.mulf %get3A_262, %get3A_239 : vector<16xf32>
      %swap3A_264 = arith.index_cast %scan3A_235 : i32 to index
      %swap3A_265 = arith.constant 32 : index
      %swap3A_266 = tpu.vector_load %arg13[%swap3A_264, %swap3A_265] {strides = array<i32>} : memref<128x128xf32, #tpu.memory_space<vmem>>, vector<1x16xf32>,
      %swap3A_267 = vector.shape_cast %swap3A_266 : vector<1x16xf32> to vector<16xf32>
      %swap3A_268 = vector.shape_cast %mul3A_263 : vector<16xf32> to vector<1x16xf32>
      tpu.vector_store %arg13[%swap3A_264, %swap3A_265], %swap3A_268 {add = true, strides = array<i32>} : memref<128x128xf32, #tpu.memory_space<vmem>>, vector<1x16xf32>,
      %get3A_269 = arith.index_cast %scan3A_235 : i32 to index
      %get3A_270 = arith.constant 48 : index
      %get3A_271 = tpu.vector_load %arg15[%get3A_269, %get3A_270] {strides = array<i32>} : memref<128x128xf32, #tpu.memory_space<vmem>>, vector<1x16xf32>,
      %get3A_272 = vector.shape_cast %get3A_271 : vector<1x16xf32> to vector<16xf32>
      %mul3A_273 = arith.mulf %get3A_272, %get3A_239 : vector<16xf32>
      %swap3A_274 = arith.index_cast %scan3A_235 : i32 to index
      %swap3A_275 = arith.constant 48 : index
      %swap3A_276 = tpu.vector_load %arg13[%swap3A_274, %swap3A_275] {strides = array<i32>} : memref<128x128xf32, #tpu.memory_space<vmem>>, vector<1x16xf32>,
      %swap3A_277 = vector.shape_cast %swap3A_276 : vector<1x16xf32> to vector<16xf32>
      %swap3A_278 = vector.shape_cast %mul3A_273 : vector<16xf32> to vector<1x16xf32>
      tpu.vector_store %arg13[%swap3A_274, %swap3A_275], %swap3A_278 {add = true, strides = array<i32>} : memref<128x128xf32, #tpu.memory_space<vmem>>, vector<1x16xf32>,
      %get3A_279 = arith.index_cast %scan3A_235 : i32 to index
      %get3A_280 = arith.constant 64 : index
      %get3A_281 = tpu.vector_load %arg15[%get3A_279, %get3A_280] {strides = array<i32>} : memref<128x128xf32, #tpu.memory_space<vmem>>, vector<1x16xf32>,
      %get3A_282 = vector.shape_cast %get3A_281 : vector<1x16xf32> to vector<16xf32>
      %mul3A_283 = arith.mulf %get3A_282, %get3A_239 : vector<16xf32>
      %swap3A_284 = arith.index_cast %scan3A_235 : i32 to index
      %swap3A_285 = arith.constant 64 : index
      %swap3A_286 = tpu.vector_load %arg13[%swap3A_284, %swap3A_285] {strides = array<i32>} : memref<128x128xf32, #tpu.memory_space<vmem>>, vector<1x16xf32>,
      %swap3A_287 = vector.shape_cast %swap3A_286 : vector<1x16xf32> to vector<16xf32>
      %swap3A_288 = vector.shape_cast %mul3A_283 : vector<16xf32> to vector<1x16xf32>
      tpu.vector_store %arg13[%swap3A_284, %swap3A_285], %swap3A_288 {add = true, strides = array<i32>} : memref<128x128xf32, #tpu.memory_space<vmem>>, vector<1x16xf32>,
      %get3A_289 = arith.index_cast %scan3A_235 : i32 to index
      %get3A_290 = arith.constant 80 : index
      %get3A_291 = tpu.vector_load %arg15[%get3A_289, %get3A_290] {strides = array<i32>} : memref<128x128xf32, #tpu.memory_space<vmem>>, vector<1x16xf32>,
      %get3A_292 = vector.shape_cast %get3A_291 : vector<1x16xf32> to vector<16xf32>
      %mul3A_293 = arith.mulf %get3A_292, %get3A_239 : vector<16xf32>
      %swap3A_294 = arith.index_cast %scan3A_235 : i32 to index
      %swap3A_295 = arith.constant 80 : index
      %swap3A_296 = tpu.vector_load %arg13[%swap3A_294, %swap3A_295] {strides = array<i32>} : memref<128x128xf32, #tpu.memory_space<vmem>>, vector<1x16xf32>,
      %swap3A_297 = vector.shape_cast %swap3A_296 : vector<1x16xf32> to vector<16xf32>
      %swap3A_298 = vector.shape_cast %mul3A_293 : vector<16xf32> to vector<1x16xf32>
      tpu.vector_store %arg13[%swap3A_294, %swap3A_295], %swap3A_298 {add = true, strides = array<i32>} : memref<128x128xf32, #tpu.memory_space<vmem>>, vector<1x16xf32>,
      %get3A_299 = arith.index_cast %scan3A_235 : i32 to index
      %get3A_300 = arith.constant 96 : index
      %get3A_301 = tpu.vector_load %arg15[%get3A_299, %get3A_300] {strides = array<i32>} : memref<128x128xf32, #tpu.memory_space<vmem>>, vector<1x16xf32>,
      %get3A_302 = vector.shape_cast %get3A_301 : vector<1x16xf32> to vector<16xf32>
      %mul3A_303 = arith.mulf %get3A_302, %get3A_239 : vector<16xf32>
      %swap3A_304 = arith.index_cast %scan3A_235 : i32 to index
      %swap3A_305 = arith.constant 96 : index
      %swap3A_306 = tpu.vector_load %arg13[%swap3A_304, %swap3A_305] {strides = array<i32>} : memref<128x128xf32, #tpu.memory_space<vmem>>, vector<1x16xf32>,
      %swap3A_307 = vector.shape_cast %swap3A_306 : vector<1x16xf32> to vector<16xf32>
      %swap3A_308 = vector.shape_cast %mul3A_303 : vector<16xf32> to vector<1x16xf32>
      tpu.vector_store %arg13[%swap3A_304, %swap3A_305], %swap3A_308 {add = true, strides = array<i32>} : memref<128x128xf32, #tpu.memory_space<vmem>>, vector<1x16xf32>,
      %get3A_309 = arith.index_cast %scan3A_235 : i32 to index
      %get3A_310 = arith.constant 112 : index
      %get3A_311 = tpu.vector_load %arg15[%get3A_309, %get3A_310] {strides = array<i32>} : memref<128x128xf32, #tpu.memory_space<vmem>>, vector<1x16xf32>,
      %get3A_312 = vector.shape_cast %get3A_311 : vector<1x16xf32> to vector<16xf32>
      %mul3A_313 = arith.mulf %get3A_312, %get3A_239 : vector<16xf32>
      %swap3A_314 = arith.index_cast %scan3A_235 : i32 to index
      %swap3A_315 = arith.constant 112 : index
      %swap3A_316 = tpu.vector_load %arg13[%swap3A_314, %swap3A_315] {strides = array<i32>} : memref<128x128xf32, #tpu.memory_space<vmem>>, vector<1x16xf32>,
      %swap3A_317 = vector.shape_cast %swap3A_316 : vector<1x16xf32> to vector<16xf32>
      %swap3A_318 = vector.shape_cast %mul3A_313 : vector<16xf32> to vector<1x16xf32>
      tpu.vector_store %arg13[%swap3A_314, %swap3A_315], %swap3A_318 {add = true, strides = array<i32>} : memref<128x128xf32, #tpu.memory_space<vmem>>, vector<1x16xf32>,
      %scan3A_319 = arith.constant 0 : i32
      scf.yield %scan3A_319 : i32
    }
    %scan3A_211 = arith.constant 128 : i32
    %add3A_212 = arith.constant 384 : i32
    %add3A_213 = arith.addi %mul3A_2, %add3A_212 : i32
    %multiple_of3A_214 = tpu.assume_multiple %add3A_213, 128 : i32
    %dma_start3A_215 = arith.constant 0 : i32
    %dma_start3A_216 = tpu.memref_slice %arg6[%multiple_of3A_214, %dma_start3A_215] : memref<16384x128xf32, #tpu.memory_space<hbm>> -> memref<128x128xf32, #tpu.memory_space<hbm>>
    %dma_start3A_217 = arith.constant 0 : i32
    %dma_start3A_218 = tpu.memref_slice %arg6[%multiple_of3A_214, %dma_start3A_217] : memref<16384x128xf32, #tpu.memory_space<hbm>> -> memref<128x128xf32, #tpu.memory_space<hbm>>
    tpu.enqueue_dma source(%arg13 : memref<128x128xf32, #tpu.memory_space<vmem>>) target(%dma_start3A_218 : memref<128x128xf32, #tpu.memory_space<hbm>>) target_semaphore(%arg29 : memref<!tpu.dma_semaphore, #tpu.memory_space<semaphore_mem>>)
    %dma_wait3A_219 = arith.constant 0 : i32
    %dma_wait3A_220 = tpu.memref_slice %arg6[%multiple_of3A_92, %dma_wait3A_219] : memref<16384x128xf32, #tpu.memory_space<hbm>> -> memref<128x128xf32, #tpu.memory_space<hbm>>
    %dma_wait3A_221 = arith.constant 0 : i32
    %dma_wait3A_222 = tpu.memref_slice %arg6[%multiple_of3A_92, %dma_wait3A_221] : memref<16384x128xf32, #tpu.memory_space<hbm>> -> memref<128x128xf32, #tpu.memory_space<hbm>>
    tpu.wait_dma2 semaphore(%arg26 : memref<!tpu.dma_semaphore, #tpu.memory_space<semaphore_mem>>) src(%arg10 : memref<128x128xf32, #tpu.memory_space<vmem>>) dst(%dma_wait3A_222 : memref<128x128xf32, #tpu.memory_space<hbm>>)
    %dma_wait3A_223 = arith.constant 0 : i32
    %dma_wait3A_224 = tpu.memref_slice %arg6[%multiple_of3A_135, %dma_wait3A_223] : memref<16384x128xf32, #tpu.memory_space<hbm>> -> memref<128x128xf32, #tpu.memory_space<hbm>>
    %dma_wait3A_225 = arith.constant 0 : i32
    %dma_wait3A_226 = tpu.memref_slice %arg6[%multiple_of3A_135, %dma_wait3A_225] : memref<16384x128xf32, #tpu.memory_space<hbm>> -> memref<128x128xf32, #tpu.memory_space<hbm>>
    tpu.wait_dma2 semaphore(%arg27 : memref<!tpu.dma_semaphore, #tpu.memory_space<semaphore_mem>>) src(%arg11 : memref<128x128xf32, #tpu.memory_space<vmem>>) dst(%dma_wait3A_226 : memref<128x128xf32, #tpu.memory_space<hbm>>)
    %dma_wait3A_227 = arith.constant 0 : i32
    %dma_wait3A_228 = tpu.memref_slice %arg6[%multiple_of3A_178, %dma_wait3A_227] : memref<16384x128xf32, #tpu.memory_space<hbm>> -> memref<128x128xf32, #tpu.memory_space<hbm>>
    %dma_wait3A_229 = arith.constant 0 : i32
    %dma_wait3A_230 = tpu.memref_slice %arg6[%multiple_of3A_178, %dma_wait3A_229] : memref<16384x128xf32, #tpu.memory_space<hbm>> -> memref<128x128xf32, #tpu.memory_space<hbm>>
    tpu.wait_dma2 semaphore(%arg28 : memref<!tpu.dma_semaphore, #tpu.memory_space<semaphore_mem>>) src(%arg12 : memref<128x128xf32, #tpu.memory_space<vmem>>) dst(%dma_wait3A_230 : memref<128x128xf32, #tpu.memory_space<hbm>>)
    %dma_wait3A_231 = arith.constant 0 : i32
    %dma_wait3A_232 = tpu.memref_slice %arg6[%multiple_of3A_214, %dma_wait3A_231] : memref<16384x128xf32, #tpu.memory_space<hbm>> -> memref<128x128xf32, #tpu.memory_space<hbm>>
    %dma_wait3A_233 = arith.constant 0 : i32
    %dma_wait3A_234 = tpu.memref_slice %arg6[%multiple_of3A_214, %dma_wait3A_233] : memref<16384x128xf32, #tpu.memory_space<hbm>> -> memref<128x128xf32, #tpu.memory_space<hbm>>
    tpu.wait_dma2 semaphore(%arg29 : memref<!tpu.dma_semaphore, #tpu.memory_space<semaphore_mem>>) src(%arg13 : memref<128x128xf32, #tpu.memory_space<vmem>>) dst(%dma_wait3A_234 : memref<128x128xf32, #tpu.memory_space<hbm>>)
    return
  }
}

</mosaic_0001>

<sc_bundles>
// kernel: kernel.3.cloned.1.call-start
scs
__scs_entry_jumppad:
0x0: {  	(pc) =	sbr.rel $0x88, $3  }
0x1: {  	(tag) =	ssettag $0x0;
	lr =	simm.s32 $0x1  }
0x2: {  	[smem:$0x3F9D] =	sst lr;
	_ =	strace $0xD0000000  }
0x3: {  	_ = 	snop  }
0x4: {  	_ = 	snop  }
0x5: {  	_ = 	snop  }
0x6: {  	_ = 	snop  }
0x7: {  	_ = 	snop  }
__scs_overlays_trampoline_lowered:
0x8: {  	[smem:$0x3FAC] =	sst s0  }
0x9: {  	[smem:$0x3FAD] =	sst s1  }
0xa: {  	[smem:$0x3FAE] =	sst s2  }
0xb: {  	[smem:$0x3FAF] =	sst s3  }
0xc: {  	[smem:$0x3FB0] =	sst s4  }
0xd: {  	[smem:$0x3FB1] =	sst s5  }
0xe: {  	[smem:$0x3FB2] =	sst s6  }
0xf: {  	[smem:$0x3FB3] =	sst s7  }
0x10: {  	[smem:$0x3FB4] =	sst s8  }
0x11: {  	[smem:$0x3FB5] =	sst s9;
	s0 =	simm.s32 @!p0 $0x0  }
0x12: {  	s1 =	sld [smem:$0x3F9B];
	s0 =	simm.s32 @p0 $0x1  }
0x13: {  	[smem:$0x3FB6] =	sst s0;
	s0 =	simm.s32 @!p1 $0x0  }
0x14: {  	s2 =	sld [smem:$0x3F9A];
	s0 =	simm.s32 @p1 $0x1  }
0x15: {  	[smem:$0x3FB7] =	sst s0;
	s0 =	simm.s32 @!p2 $0x0  }
0x16: {  	s3 =	sld [smem:$0x3FDB];
	s0 =	simm.s32 @p2 $0x1  }
0x17: {  	s4 =	simm.s32 $0x1BF5;
	[smem:$0x3FB9] =	sst s0  }
0x18: {  	s0 =	sld [smem:$0x3F9C];
	_ =	swait.ge [sflag:s4], $0x0  }
0x19: {  	s7 =	sld [smem:$0x3F9D]  }
0x1a: {  	s8 =	sadd.s32 $0xFFFFE003, lr  }
0x1b: {  	s9 =	sadd.s32 $0xFFFFFEF7, lr;
	s5 =	simm.s32 $0xFFFFFFFF;
	p2 =	slt.u32 s8, $0xFFFFF086  }
0x1c: {  	p1 =	slt.u32 s9, $0xF7A;
	s5 =	simm.s32 @!p2 $0x0  }
0x1d: {  	s5 =	simm.s32 @p1 $0x1;
	p0 =	seq.s32 s7, s2  }
0x1e: {  	s7 =	smul.u32 @!p0 $0xF7A, s2;
	p2 =	seq.s32 @!p0 s5, $0x0  }
0x1f: {  	s9 =	smul.u32 $0xF7A, s1;
	s8 =	simm.s32 @!p0 $0x1BF5;
	p2 =	por !p2, p0  }
0x20: {  	[sflag:s8] =	ssyncset.s32 @!p0 $0xFFFFF086;
	s6 =	sadd.s32 @!p0 s3, s7;
	s7 =	simm.s32 @!p0 $0x108  }
0x21: {  	s3 =	sadd.s32 s3, s9;
	s6 =	sadd.s32 @!p0 $0x88, s6;
	s7 =	simm.s32 @p2 $0x1082  }
0x22: {  	[simem:s7], [sflag:s8] =	dma.local @!p0 [hbm:s6], $0xF7A  }
0x23: {  	s9 =	sor.u32 $0xD0000000, s2;
	s6 =	simm.s32 $0x108;
	_ =	swait.ge @!p0 [sflag:s8], $0x0  }
0x24: {  	s3 =	sadd.s32 $0x88, s3;
	s6 =	simm.s32 @!p1 $0x1082;
	[sflag:s4] =	ssyncset.s32 $0xFFFFF086  }
0x25: {  	[simem:s6], [sflag:s4] =	dma.local [hbm:s3], $0xF7A  }
0x26: {  	[smem:$0x3F9D] =	sst s1;
	(tag) =	ssettag s2;
	_ =	strace s9  }
0x27: {  	s1 =	sld [smem:$0x3FAD]  }
0x28: {  	s2 =	sld [smem:$0x3FAE]  }
0x29: {  	s4 =	sld [smem:$0x3FB0]  }
0x2a: {  	p0 =	seq.s32 s5, $0x0;
	s5 =	sld [smem:$0x3FB1]  }
0x2b: {  	s6 =	sld [smem:$0x3FB2]  }
0x2c: {  	s7 =	sld [smem:$0x3FB3]  }
0x2d: {  	s3 =	simm.s32 $0x108;
	s8 =	sld [smem:$0x3FB4]  }
0x2e: {  	s3 =	simm.s32 @!p0 $0x1082;
	s9 =	sld [smem:$0x3FB5]  }
0x2f: {  	lr =	sadd.s32 s0, s3;
	s0 =	sld [smem:$0x3FAC]  }
0x30: {  	s3 =	sld [smem:$0x3FAF]  }
0x31: {  	[smem:$0x3FB8] =	sst s10  }
0x32: {  	s10 =	sld [smem:$0x3FB6];
	_ =	sdelay $0x3  }
0x33: {  	p0 =	seq.s32 s10, $0x1;
	s10 =	sld [smem:$0x3FB8];
	_ =	sdelay $0x3  }
0x34: {  	[smem:$0x3FB8] =	sst s10  }
0x35: {  	s10 =	sld [smem:$0x3FB7];
	_ =	sdelay $0x3  }
0x36: {  	p1 =	seq.s32 s10, $0x1;
	s10 =	sld [smem:$0x3FB8];
	_ =	sdelay $0x3  }
0x37: {  	[smem:$0x3FB8] =	sst s10  }
0x38: {  	s10 =	sld [smem:$0x3FB9]  }
0x39: {  	_ = 	snop;
	(pc) =	sbr.ind lr, $3  }
0x3a: {  	_ = 	snop  }
0x3b: {  	_ = 	snop  }
0x3c: {  	p2 =	seq.s32 s10, $0x1;
	s10 =	sld [smem:$0x3FB8]  }
0x3d: {  	_ =	shalt  }
0x3e: {  	_ =	shalt  }
0x3f: {  	_ =	shalt  }
0x40: {  	_ =	shalt  }
0x41: {  	_ =	shalt  }
0x42: {  	_ =	shalt  }
0x43: {  	_ =	shalt  }
0x44: {  	_ =	shalt  }
0x45: {  	_ =	shalt  }
0x46: {  	_ =	shalt  }
0x47: {  	_ =	shalt  }
0x48: {  	_ =	shalt  }
0x49: {  	_ =	shalt  }
0x4a: {  	_ =	shalt  }
0x4b: {  	_ =	shalt  }
0x4c: {  	_ =	shalt  }
0x4d: {  	_ =	shalt  }
0x4e: {  	_ =	shalt  }
0x4f: {  	_ =	shalt  }
0x50: {  	_ =	shalt  }
0x51: {  	_ =	shalt  }
0x52: {  	_ =	shalt  }
0x53: {  	_ =	shalt  }
0x54: {  	_ =	shalt  }
0x55: {  	_ =	shalt  }
0x56: {  	_ =	shalt  }
0x57: {  	_ =	shalt  }
0x58: {  	_ =	shalt  }
0x59: {  	_ =	shalt  }
0x5a: {  	_ =	shalt  }
0x5b: {  	_ =	shalt  }
0x5c: {  	_ =	shalt  }
0x5d: {  	_ =	shalt  }
0x5e: {  	_ =	shalt  }
0x5f: {  	_ =	shalt  }
0x60: {  	_ =	shalt  }
0x61: {  	_ =	shalt  }
0x62: {  	_ =	shalt  }
0x63: {  	_ =	shalt  }
0x64: {  	_ =	shalt  }
0x65: {  	_ =	shalt  }
0x66: {  	_ =	shalt  }
0x67: {  	_ =	shalt  }
0x68: {  	_ =	shalt  }
0x69: {  	_ =	shalt  }
0x6a: {  	_ =	shalt  }
0x6b: {  	_ =	shalt  }
0x6c: {  	_ =	shalt  }
0x6d: {  	_ =	shalt  }
0x6e: {  	_ =	shalt  }
0x6f: {  	_ =	shalt  }
0x70: {  	_ =	shalt  }
0x71: {  	_ =	shalt  }
0x72: {  	_ =	shalt  }
0x73: {  	_ =	shalt  }
0x74: {  	_ =	shalt  }
0x75: {  	_ =	shalt  }
0x76: {  	_ =	shalt  }
0x77: {  	_ =	shalt  }
0x78: {  	_ =	shalt  }
0x79: {  	_ =	shalt  }
0x7a: {  	_ =	shalt  }
0x7b: {  	_ =	shalt  }
0x7c: {  	_ =	shalt  }
0x7d: {  	_ =	shalt  }
0x7e: {  	_ =	shalt  }
0x7f: {  	_ =	shalt  }
0x80: {  	_ =	shalt  }
0x81: {  	_ =	shalt  }
0x82: {  	_ =	shalt  }
0x83: {  	_ =	shalt  }
0x84: {  	_ =	shalt  }
0x85: {  	_ =	shalt  }
0x86: {  	_ =	shalt  }
0x87: {  	_ =	shalt  }
.Lfunc_end0:
.L_simem_size_0:
called_computation_lowered:
.L_overlay_start_0:
0x88: {  	s2 =	sld [smem:$0x3FD9]  }
0x89: {  	s3 =	sld [smem:$0x3FFE];
	_ =	sdelay $0x1  }
0x8a: {  	s1 =	srdreg.scid  }
0x8b: {  	s0 =	sand.u32 $0x1, s1  }
0x8c: {  	s18 =	sshll.u32 s0, $0xA;
	s2 =	sadd.s32 s3, s2  }
0x8d: {  	s2 =	sadd.s32 s2, s18  }
0x8e: {  	[smem:$0x3FC4] =	sst s2  }
0x8f: {  	_ = 	snop  }
0x90: {  	s2 =	sld [smem:$0x3FC9]  }
0x91: {  	s19 =	sld [smem:$0x3FC8]  }
0x92: {  	s4 =	sld [smem:$0x3FC7]  }
0x93: {  	s5 =	sld [smem:$0x3FC6]  }
0x94: {  	s6 =	sld [smem:$0x3FD0];
	(tm) =	ssettm $0x1  }
0x95: {  	s7 =	sld [smem:$0x3FFB];
	_ =	sdelay $0x3  }
0x96: {  	_ =	strace s7  }
0x97: {  	s7 =	sld [smem:$0x3FFC];
	_ =	sdelay $0x3  }
0x98: {  	_ =	strace s7  }
0x99: {  	s7 =	sld [smem:$0x3FFD];
	_ =	sdelay $0x3  }
0x9a: {  	_ =	strace s7  }
0x9b: {  	_ =	strace $0x8FFFFFFF  }
0x9c: {  	s20 =	sld [smem:$0x3FDB];
	_ =	sdelay $0x1  }
0x9d: {  	s8 =	simm.s32 $_scs_section_size  }
0x9e: {  	s9 =	simm.s32 $_size__tile_overlayer_lowered;
	s10 =	simm.s32 $_tile_overlayer_lowered  }
0x9f: {  	s23 =	simm.s32 $0x1BFF;
	s22 =	sshll.u32 s10, $0x1;
	s7 =	sadd.s32 s8, s20  }
0xa0: {  	s11 =	simm.s32 $0x0;
	s21 =	sshll.u32 s9, $0x1;
	s9 =	sadd.s32 s22, s7  }
0xa1: {  	[timem:s11], [sflag:s23] =	dma.local [hbm:s9], s21  }
0xa2: {  	_ =	swait.ge [sflag:s23], s21  }
0xa3: {  	s8 =	ssub.s32 $0x0, s21;
	[sflag:s23] =	ssyncset.done $0x0  }
0xa4: {  	[sflag:s23] =	ssyncadd.s32 s8;
	_ =	sdelay $0x1  }
0xa5: {  	s24 =	simm.s32 $0x1B8B  }
0xa6: {  	_ =	swait.ge [sflag:s24], $0x1  }
0xa7: {  	[sflag:s24] =	ssyncset.done $0x0  }
0xa8: {  	s25 =	simm.s32 $0x1B8E;
	[sflag:s24] =	ssyncadd.s32 $0xFFFFFFFF  }
0xa9: {  	s26 =	simm.s32 $execute0_lowered;
	[smem:$0x3FD2] =	sst s25  }
0xaa: {  	s8 =	sshll.u32 s26, $0x1;
	_ =	strace $0x80000046;
	[dreg:$0x1] =	wrdreg $0xFFFFFFFF  }
0xab: {  	s28 =	simm.s32 $_size_execute0_lowered;
	s7 =	sadd.s32 s7, s8;
	[dreg:$0x0] =	wrdreg $0x0  }
0xac: {  	s8 =	sshll.u32 s28, $0x1;
	[dreg:$0x2] =	wrdreg s7  }
0xad: {  	[dreg:$0x3] =	wrdreg s8  }
0xae: {  	[dreg:$0x4] =	wrdreg $0xC0  }
0xaf: {  	_ =	task [dreg:s11], $0x5FFFF  }
0xb0: {  	[dreg:$0x1] =	wrdreg $0xFFFFFFFF  }
0xb1: {  	[dreg:$0x0] =	wrdreg $0x60  }
0xb2: {  	[dreg:$0x2] =	wrdreg s2  }
0xb3: {  	[dreg:$0x3] =	wrdreg s19  }
0xb4: {  	[dreg:$0x4] =	wrdreg s4  }
0xb5: {  	[dreg:$0x5] =	wrdreg s5  }
0xb6: {  	[dreg:$0x6] =	wrdreg s6  }
0xb7: {  	[dreg:$0x7] =	wrdreg $0x9  }
0xb8: {  	_ =	task.clear_ibuf [dreg:s11], $0x8FFFF;
	_ =	strace $0x90000046  }
0xb9: {  	s29 =	simm.s32 $0x9;
	_ =	strace $0x80000048  }
0xba: {  	_ =	swait.ge [sflag:s29], $0x1  }
0xbb: {  	[sflag:s29] =	ssyncadd.s32 $0xFFFFFFFF  }
0xbc: {  	_ =	strace $0x90000048  }
0xbd: {  	_ =	sfence  }
0xbe: {  	s30 =	sld [smem:$0x0];
	_ =	sdelay $0x2  }
0xbf: {  	s31 =	sshll.u32 s1, $0xD;
	s1 =	sshrl.u32 s1, $0x2  }
0xc0: {  	s3 =	sand.u32 $0x4000, s31;
	s1 =	sadd.s32 s1, s30  }
0xc1: {  	s0 =	sor.u32 s3, s0;
	s1 =	sshll.u32 s1, $0x11  }
0xc2: {  	s0 =	sor.u32 s1, s0  }
0xc3: {  	s0 =	sadd.s32 $0x8F2B, s0  }
0xc4: {  	[sflag:s0] =	ssyncadd.remote.s32 $0x1  }
0xc5: {  	_ =	sfence.sel $0xFFFF  }
0xc6: {  	[dreg:$0x0] =	wrdreg $0xFFFFFFFF;
	(pc) =	sbr.abs _section_cstart, $3  }
0xc7: {  	[dreg:$0x1] =	wrdreg $0xFFFFFFFF  }
0xc8: {  	_ =	task.clear_ibuf [dreg:s11], $0x2FFFF;
	_ =	strace $0x9FFFFFFF  }
0xc9: {  	(tm) =	ssettm $0x7FFFFFFF  }
tec
execute0_lowered:
.L_overlay_start_1:
0x0: {  	(tag) =	ssettag $0x1  }
0x1: {  	s0 =	rddreg [dreg:$0x0]  }
0x2: {  	s3 =	rddreg [dreg:$0x1]  }
0x3: {  	s1 =	rddreg [dreg:$0x2]  }
0x4: {  	s2 =	rddreg [dreg:$0x3]  }
0x5: {  	s5 =	rddreg [dreg:$0x4];
	s4 =	simm.s32 $0x0;
	s6 =	srdreg.scid  }
0x6: {  	s8 =	stileid.u32;
	s16 =	simm.s32 $0xF;
	s17 =	simm.s32 $0x80  }
0x7: {  	s28 =	simm.s32 $0x10400;
	s30 =	simm.s32 $0x18400;
	s31 =	simm.s32 $0x5  }
0x8: {  	s29 =	simm.s32 $0x7;
	s18 =	simm.s32 $0x8;
	s6 =	sand.u32 $0x1, s6  }
0x9: {  	s8 =	sshll.u32 s8, $0xA;
	s7 =	ssub.s32 $0x2, s6;
	s6 =	sshll.u32 s6, $0x9  }
0xa: {  	[smem:$0x7FF] =	sst s4;
	s9 =	sshrl.u32 s7, $0x1;
	s6 =	sor.u32 s6, s8  }
0xb: {  	_ =	strace $0x80000047;
	s7 =	ssub.s32 s7, s9;
	s8 =	sshrl.u32 s6, $0x3  }
0xc: {  	s19 =	sor.u32 $0x80, s6;
	s6 =	sshll.u32 s6, $0x4;
	s8 =	sadd.s32 s3, s8  }
0xd: {  	s20 =	sshrl.u32 s19, $0x3;
	s10 =	sadd.s32 s0, s6;
	s21 =	sshll.u32 s19, $0x4  }
0xe: {  	s23 =	sadd.s32 s5, s6;
	s24 =	sor.u32 $0x1000, s6;
	s26 =	sor.u32 $0x1800, s6  }
0xf: {  	s15 =	smax.u32 s7, $0x1;
	s19 =	simm.s32 $0x6;
	[dreg:$0x6] =	wrdreg s8  }
0x10: {  	s6 =	simm.s32 $0x4;
	s7 =	simm.s32 $0xC;
	[dreg:$0x7] =	wrdreg s10  }
0x11: {  	s3 =	sadd.s32 s3, s20;
	s22 =	sadd.s32 s0, s21;
	[dreg:$0xa] =	wrdreg s23  }
0x12: {  	s25 =	sadd.s32 s0, s24;
	s11 =	sadd.s32 s5, s21;
	s12 =	sadd.s32 s0, s26  }
0x13: {  	s13 =	sadd.s32 s5, s24;
	s14 =	sadd.s32 s5, s26;
	s26 =	simm.s32 $0x180  }
0x14: {  	s0 =	simm.s32 $0x1;
	s5 =	simm.s32 $0x3;
	[dreg:$0x8] =	wrdreg s3  }
0x15: {  	s20 =	simm.s32 $0xB;
	s21 =	simm.s32 $0xD;
	[dreg:$0x9] =	wrdreg s22  }
0x16: {  	s8 =	simm.s32 $0xE;
	s23 =	simm.s32 $0x0;
	[dreg:$0xb] =	wrdreg s25  }
0x17: {  	s3 =	simm.s32 $0x9;
	s22 =	simm.s32 $0x2;
	s25 =	simm.s32 $0xA  }
.LBB2_1:
0x18: {  	s9 =	rddreg [dreg:$0x6]  }
0x19: {  	[tilespmem:s4], [sflag:$0xF] =	stream.linear.gather [hbm4b:s9+s4], $0x80, $0x38;
	[tilespmem:$0x1C400] =	vst v63  }
0x1a: {  	_ =	swait.ge [sflag:s16], $0x80  }
0x1b: {  	[sflag:s16] =	ssyncset.done $0x0  }
0x1c: {  	s24 =	simm.s32 $0x4400;
	[sflag:s16] =	ssyncadd.s32 $0xFFFFFF80  }
0x1d: {  	[tilespmem:s24], [sflag:$0x1] =	stream.indirect.gather [hbm4b:s2+s17], $0x80, s4, s17, $0xb8;
	[tilespmem:$0x1C400] =	vst v63  }
0x1e: {  	s10 =	simm.s32 $0x200  }
0x1f: {  	[tilespmem:s10], [sflag:$0x5] =	stream.indirect.gather [hbm4b:s1+s17], $0x1, s4, s17, $0xb8;
	[tilespmem:$0x1C400] =	vst v63  }
0x20: {  	s24 =	rddreg [dreg:$0x7];
	s10 =	simm.s32 $0x14400  }
0x21: {  	[tilespmem:s10], [sflag:$0x9] =	stream.linear.gather [hbm4b:s24+s4], $0x4000, $0x38;
	[tilespmem:$0x1C400] =	vst v63  }
0x22: {  	s10 =	rddreg [dreg:$0x8]  }
0x23: {  	[tilespmem:s17], [sflag:$0xF] =	stream.linear.gather [hbm4b:s10+s4], $0x180, $0x38;
	[tilespmem:$0x1C400] =	vst v63  }
0x24: {  	_ =	swait.ge [sflag:s16], $0x180  }
0x25: {  	[sflag:s16] =	ssyncset.done $0x0  }
0x26: {  	s24 =	simm.s32 $0x8400;
	[sflag:s16] =	ssyncadd.s32 $0xFFFFFE80  }
0x27: {  	[tilespmem:s24], [sflag:$0x2] =	stream.indirect.gather [hbm4b:s2+s17], $0x80, s17, s17, $0xb8;
	[tilespmem:$0x1C400] =	vst v63  }
0x28: {  	s10 =	simm.s32 $0x280  }
0x29: {  	[tilespmem:s10], [sflag:$0x6] =	stream.indirect.gather [hbm4b:s1+s17], $0x1, s17, s17, $0xb8;
	[tilespmem:$0x1C400] =	vst v63  }
0x2a: {  	s9 =	simm.s32 $0x100;
	s24 =	simm.s32 $0xC400  }
0x2b: {  	[tilespmem:s24], [sflag:$0x3] =	stream.indirect.gather [hbm4b:s2+s17], $0x80, s9, s17, $0xb8;
	[tilespmem:$0x1C400] =	vst v63  }
0x2c: {  	s24 =	simm.s32 $0x300  }
0x2d: {  	[tilespmem:s24], [sflag:$0x7] =	stream.indirect.gather [hbm4b:s1+s17], $0x1, s9, s17, $0xb8;
	[tilespmem:$0x1C400] =	vst v63  }
0x2e: {  	_ = 	snop  }
0x2f: {  	[tilespmem:s28], [sflag:$0x4] =	stream.indirect.gather [hbm4b:s2+s17], $0x80, s26, s17, $0xb8;
	[tilespmem:$0x1C400] =	vst v63  }
0x30: {  	s24 =	simm.s32 $0x380  }
0x31: {  	[tilespmem:s24], [sflag:$0x8] =	stream.indirect.gather [hbm4b:s1+s17], $0x1, s26, s17, $0xb8;
	[tilespmem:$0x1C400] =	vst v63  }
0x32: {  	s10 =	rddreg [dreg:$0x9]  }
0x33: {  	[tilespmem:s30], [sflag:$0xA] =	stream.linear.gather [hbm4b:s10+s4], $0x4000, $0x38;
	[tilespmem:$0x1C400] =	vst v63  }
0x34: {  	_ =	swait.ge [sflag:s31], $0x80  }
0x35: {  	[sflag:s31] =	ssyncset.done $0x0  }
0x36: {  	s24 =	simm.s32 $0x0;
	[sflag:s31] =	ssyncadd.s32 $0xFFFFFF80  }
0x37: {  	v0 =	vld [tilespmem:s24+$0x200];
	_ =	sdelay $0x4  }
0x38: {  	v0 =	vmul.f32 $1.442695020e+00, v0;
	_ =	sdelay $0x1  }
0x39: {  	(erf) = vpow2.f32 v0;
	_ =	sdelay $0x8  }
0x3a: {  	v0 =	vpop (erf)  }
0x3b: {  	v1 =	vbroadcast v0, $0x0  }
0x3c: {  	s9 =	simm.s32 $0x800;
	v2 =	vbroadcast v0, $0x1  }
0x3d: {  	v3 =	vbroadcast v0, $0x2;
	[tilespmem:s9+$0xFFFFFC00] =	vst v1  }
0x3e: {  	v52 =	vbroadcast v0, $0x3;
	[tilespmem:s9+$0xFFFFFC80] =	vst v2  }
0x3f: {  	v53 =	vbroadcast v0, $0x4;
	[tilespmem:s9+$0xFFFFFD00] =	vst v3  }
0x40: {  	v54 =	vbroadcast v0, $0x5;
	[tilespmem:s9+$0xFFFFFD80] =	vst v52  }
0x41: {  	v55 =	vbroadcast v0, $0x6;
	[tilespmem:s9+$0xFFFFFE00] =	vst v53  }
0x42: {  	v56 =	vbroadcast v0, $0x7;
	[tilespmem:s9+$0xFFFFFE80] =	vst v54  }
0x43: {  	v57 =	vbroadcast v0, $0x8;
	[tilespmem:s9+$0xFFFFFF00] =	vst v55  }
0x44: {  	v58 =	vbroadcast v0, $0x9;
	[tilespmem:s9+$0xFFFFFF80] =	vst v56  }
0x45: {  	v59 =	vbroadcast v0, $0xA;
	[tilespmem:s9+$0x0] =	vst v57  }
0x46: {  	v60 =	vbroadcast v0, $0xB;
	[tilespmem:s9+$0x80] =	vst v58  }
0x47: {  	v61 =	vbroadcast v0, $0xC;
	[tilespmem:s9+$0x100] =	vst v59  }
0x48: {  	v62 =	vbroadcast v0, $0xD;
	[tilespmem:s9+$0x180] =	vst v60  }
0x49: {  	v63 =	vbroadcast v0, $0xE;
	[tilespmem:s9+$0x200] =	vst v61  }
0x4a: {  	v0 =	vbroadcast v0, $0xF;
	[tilespmem:s9+$0x280] =	vst v62  }
0x4b: {  	[tilespmem:s9+$0x300] =	vst v63  }
0x4c: {  	s10 =	simm.s32 $0x10;
	s24 =	simm.s32 $0x80;
	[tilespmem:s9+$0x380] =	vst v0  }
.LBB2_2:
0x4d: {  	p0 =	sne.s32 s24, $0x1C0;
	v0 =	vld [tilespmem:s10+$0x200];
	_ =	sdelay $0x4  }
0x4e: {  	v0 =	vmul.f32 $1.442695020e+00, v0;
	_ =	sdelay $0x1  }
0x4f: {  	(erf) = vpow2.f32 v0;
	_ =	sdelay $0x8  }
0x50: {  	v0 =	vpop (erf)  }
0x51: {  	v1 =	vbroadcast v0, $0x0;
	v2 =	vbroadcast v0, $0x1  }
0x52: {  	s9 =	sadd.s32 $0x800, s9;
	v3 =	vbroadcast v0, $0x2;
	v4 =	vbroadcast v0, $0x3  }
0x53: {  	v5 =	vbroadcast v0, $0x5;
	[tilespmem:s9+$0xFFFFFC00] =	vst v1;
	v1 =	vbroadcast v0, $0x4  }
0x54: {  	v6 =	vbroadcast v0, $0x7;
	[tilespmem:s9+$0xFFFFFC80] =	vst v2;
	v2 =	vbroadcast v0, $0x6  }
0x55: {  	v7 =	vbroadcast v0, $0x9;
	[tilespmem:s9+$0xFFFFFD00] =	vst v3;
	v3 =	vbroadcast v0, $0x8  }
0x56: {  	v8 =	vbroadcast v0, $0xB;
	[tilespmem:s9+$0xFFFFFD80] =	vst v4;
	v4 =	vbroadcast v0, $0xA  }
0x57: {  	v9 =	vbroadcast v0, $0xD;
	[tilespmem:s9+$0xFFFFFE00] =	vst v1;
	v1 =	vbroadcast v0, $0xC  }
0x58: {  	[tilespmem:s9+$0xFFFFFE80] =	vst v5;
	v5 =	vbroadcast v0, $0xE;
	v0 =	vbroadcast v0, $0xF  }
0x59: {  	[tilespmem:s9+$0xFFFFFF00] =	vst v2  }
0x5a: {  	[tilespmem:s9+$0xFFFFFF80] =	vst v6  }
0x5b: {  	[tilespmem:s9+$0x0] =	vst v3  }
0x5c: {  	[tilespmem:s9+$0x80] =	vst v7  }
0x5d: {  	[tilespmem:s9+$0x100] =	vst v4  }
.Ltmp0:
0x5e: {  	[tilespmem:s9+$0x180] =	vst v8;
	(pc) =	sbr.rel @p0 .LBB2_2-.Ltmp0, $4  }
0x5f: {  	[tilespmem:s9+$0x200] =	vst v1  }
0x60: {  	[tilespmem:s9+$0x280] =	vst v9  }
0x61: {  	[tilespmem:s9+$0x300] =	vst v5  }
0x62: {  	s10 =	sshra.s32 s24, $0x2;
	s24 =	sadd.s32 $0x40, s24;
	[tilespmem:s9+$0x380] =	vst v0  }
0x63: {  	v0 =	vld [tilespmem:s10+$0x200];
	_ =	sdelay $0x4  }
0x64: {  	v0 =	vmul.f32 $1.442695020e+00, v0;
	_ =	sdelay $0x1  }
0x65: {  	(erf) = vpow2.f32 v0;
	_ =	sdelay $0x8  }
0x66: {  	v0 =	vpop (erf)  }
0x67: {  	v1 =	vbroadcast v0, $0x0  }
0x68: {  	s9 =	sadd.s32 $0x800, s9;
	v2 =	vbroadcast v0, $0x1  }
0x69: {  	v3 =	vbroadcast v0, $0x2;
	[tilespmem:s9+$0xFFFFFC00] =	vst v1  }
0x6a: {  	v1 =	vbroadcast v0, $0x3;
	[tilespmem:s9+$0xFFFFFC80] =	vst v2  }
0x6b: {  	v2 =	vbroadcast v0, $0x4;
	[tilespmem:s9+$0xFFFFFD00] =	vst v3  }
0x6c: {  	v3 =	vbroadcast v0, $0x5;
	[tilespmem:s9+$0xFFFFFD80] =	vst v1  }
0x6d: {  	v1 =	vbroadcast v0, $0x6;
	[tilespmem:s9+$0xFFFFFE00] =	vst v2  }
0x6e: {  	v2 =	vbroadcast v0, $0x7;
	[tilespmem:s9+$0xFFFFFE80] =	vst v3  }
0x6f: {  	v3 =	vbroadcast v0, $0x8;
	[tilespmem:s9+$0xFFFFFF00] =	vst v1  }
0x70: {  	v1 =	vbroadcast v0, $0x9;
	[tilespmem:s9+$0xFFFFFF80] =	vst v2  }
0x71: {  	v2 =	vbroadcast v0, $0xA;
	[tilespmem:s9+$0x0] =	vst v3  }
0x72: {  	v3 =	vbroadcast v0, $0xB;
	[tilespmem:s9+$0x80] =	vst v1  }
0x73: {  	v1 =	vbroadcast v0, $0xC;
	[tilespmem:s9+$0x100] =	vst v2  }
0x74: {  	v2 =	vbroadcast v0, $0xD;
	[tilespmem:s9+$0x180] =	vst v3  }
0x75: {  	v3 =	vbroadcast v0, $0xE;
	[tilespmem:s9+$0x200] =	vst v1  }
0x76: {  	v0 =	vbroadcast v0, $0xF;
	[tilespmem:s9+$0x280] =	vst v2  }
0x77: {  	[tilespmem:s9+$0x300] =	vst v3  }
0x78: {  	[tilespmem:s9+$0x380] =	vst v0  }
0x79: {  	_ =	swait.ge [sflag:s0], $0x4000  }
0x7a: {  	[sflag:s0] =	ssyncset.done $0x0  }
0x7b: {  	[sflag:s0] =	ssyncadd.s32 $0xFFFFC000  }
0x7c: {  	_ =	swait.ge [sflag:s3], $0x4000  }
0x7d: {  	[sflag:s3] =	ssyncset.done $0x0  }
0x7e: {  	s9 =	simm.s32 $0x0;
	[sflag:s3] =	ssyncadd.s32 $0xFFFFC000  }
0x7f: {  	s24 =	simm.s32 $0x200;
	v0 =	vld [tilespmem:s9+$0x400]  }
.LBB2_4:
0x80: {  	p0 =	sne.s32 s24, $0xFE00;
	v1 =	vld [tilespmem:s9+$0x14470]  }
0x81: {  	v2 =	vld [tilespmem:s9+$0x14400]  }
0x82: {  	v3 =	vld [tilespmem:s9+$0x14410]  }
0x83: {  	v4 =	vld [tilespmem:s9+$0x14420]  }
0x84: {  	v5 =	vld [tilespmem:s9+$0x14430]  }
0x85: {  	v6 =	vld [tilespmem:s9+$0x14440];
	v1 =	vmul.f32 v1, v0  }
0x86: {  	v2 =	vmul.f32 v2, v0;
	v7 =	vld [tilespmem:s9+$0x14450]  }
0x87: {  	v3 =	vmul.f32 v3, v0;
	[tilespmem:s9+$0x4470] =	vst.add.f32.msk $0xffff, v1  }
0x88: {  	v1 =	vmul.f32 v4, v0;
	v4 =	vld [tilespmem:s9+$0x14460]  }
0x89: {  	[tilespmem:s9+$0x4400] =	vst.add.f32.msk $0xffff, v2;
	v2 =	vmul.f32 v5, v0  }
0x8a: {  	[tilespmem:s9+$0x4410] =	vst.add.f32.msk $0xffff, v3;
	v3 =	vmul.f32 v6, v0  }
0x8b: {  	[tilespmem:s9+$0x4420] =	vst.add.f32.msk $0xffff, v1;
	v1 =	vmul.f32 v7, v0  }
.Ltmp1:
0x8c: {  	[tilespmem:s9+$0x4430] =	vst.add.f32.msk $0xffff, v2;
	(pc) =	sbr.rel @p0 .LBB2_4-.Ltmp1, $4  }
0x8d: {  	[tilespmem:s9+$0x4440] =	vst.add.f32.msk $0xffff, v3;
	v0 =	vmul.f32 v4, v0  }
0x8e: {  	[tilespmem:s9+$0x4450] =	vst.add.f32.msk $0xffff, v1  }
0x8f: {  	[tilespmem:s9+$0x4460] =	vst.add.f32.msk $0xffff, v0;
	s9 =	sshra.s32 s24, $0x2  }
0x90: {  	s24 =	sadd.s32 $0x200, s24;
	v0 =	vld [tilespmem:s9+$0x400]  }
0x91: {  	v1 =	vld [tilespmem:s9+$0x14470]  }
0x92: {  	v2 =	vld [tilespmem:s9+$0x14400]  }
0x93: {  	v3 =	vld [tilespmem:s9+$0x14410]  }
0x94: {  	v4 =	vld [tilespmem:s9+$0x14420]  }
0x95: {  	v5 =	vld [tilespmem:s9+$0x14430]  }
0x96: {  	v6 =	vld [tilespmem:s9+$0x14440]  }
0x97: {  	v7 =	vld [tilespmem:s9+$0x14450];
	v1 =	vmul.f32 v1, v0  }
0x98: {  	v43 =	vld [tilespmem:s9+$0x14460];
	v2 =	vmul.f32 v2, v0  }
0x99: {  	v42 =	vmul.f32 v3, v0;
	[tilespmem:s9+$0x4470] =	vst.add.f32.msk $0xffff, v1  }
0x9a: {  	v4 =	vmul.f32 v4, v0;
	[tilespmem:s9+$0x4400] =	vst.add.f32.msk $0xffff, v2  }
0x9b: {  	v44 =	vmul.f32 v5, v0;
	[tilespmem:s9+$0x4410] =	vst.add.f32.msk $0xffff, v42  }
0x9c: {  	v45 =	vmul.f32 v6, v0;
	[tilespmem:s9+$0x4420] =	vst.add.f32.msk $0xffff, v4  }
0x9d: {  	v46 =	vmul.f32 v7, v0;
	[tilespmem:s9+$0x4430] =	vst.add.f32.msk $0xffff, v44  }
0x9e: {  	v47 =	vmul.f32 v43, v0;
	[tilespmem:s9+$0x4440] =	vst.add.f32.msk $0xffff, v45  }
0x9f: {  	[tilespmem:s9+$0x4450] =	vst.add.f32.msk $0xffff, v46  }
0xa0: {  	s10 =	rddreg [dreg:$0xa];
	s24 =	simm.s32 $0x4400;
	[tilespmem:s9+$0x4460] =	vst.add.f32.msk $0xffff, v47;
	s9 =	simm.s32 $0x0  }
0xa1: {  	[hbm4b:s10+s9] =	stream.linear.scatter [tilespmem:s24], [sflag:$0xB], $0x4000, $0x38;
	[tilespmem:$0x1C400] =	vst v63  }
0xa2: {  	s10 =	rddreg [dreg:$0xb];
	s24 =	simm.s32 $0x14400  }
0xa3: {  	[tilespmem:s24], [sflag:$0x9] =	stream.linear.gather [hbm4b:s10+s9], $0x4000, $0x38;
	[tilespmem:$0x1C400] =	vst v63  }
0xa4: {  	_ =	swait.ge [sflag:s19], $0x80  }
0xa5: {  	[sflag:s19] =	ssyncset.done $0x0  }
0xa6: {  	s24 =	simm.s32 $0x0;
	[sflag:s19] =	ssyncadd.s32 $0xFFFFFF80  }
0xa7: {  	v48 =	vld [tilespmem:s24+$0x280];
	_ =	sdelay $0x4  }
0xa8: {  	v0 =	vmul.f32 $1.442695020e+00, v48;
	_ =	sdelay $0x1  }
0xa9: {  	(erf) = vpow2.f32 v0;
	_ =	sdelay $0x8  }
0xaa: {  	v0 =	vpop (erf)  }
0xab: {  	v49 =	vbroadcast v0, $0x0  }
0xac: {  	s9 =	simm.s32 $0x800;
	v50 =	vbroadcast v0, $0x1  }
0xad: {  	v51 =	vbroadcast v0, $0x2;
	[tilespmem:s9+$0xFFFFFC00] =	vst v49  }
0xae: {  	v52 =	vbroadcast v0, $0x3;
	[tilespmem:s9+$0xFFFFFC80] =	vst v50  }
0xaf: {  	v53 =	vbroadcast v0, $0x4;
	[tilespmem:s9+$0xFFFFFD00] =	vst v51  }
0xb0: {  	v54 =	vbroadcast v0, $0x5;
	[tilespmem:s9+$0xFFFFFD80] =	vst v52  }
0xb1: {  	v55 =	vbroadcast v0, $0x6;
	[tilespmem:s9+$0xFFFFFE00] =	vst v53  }
0xb2: {  	v56 =	vbroadcast v0, $0x7;
	[tilespmem:s9+$0xFFFFFE80] =	vst v54  }
0xb3: {  	v57 =	vbroadcast v0, $0x8;
	[tilespmem:s9+$0xFFFFFF00] =	vst v55  }
0xb4: {  	v58 =	vbroadcast v0, $0x9;
	[tilespmem:s9+$0xFFFFFF80] =	vst v56  }
0xb5: {  	v59 =	vbroadcast v0, $0xA;
	[tilespmem:s9+$0x0] =	vst v57  }
0xb6: {  	v60 =	vbroadcast v0, $0xB;
	[tilespmem:s9+$0x80] =	vst v58  }
0xb7: {  	v61 =	vbroadcast v0, $0xC;
	[tilespmem:s9+$0x100] =	vst v59  }
0xb8: {  	v62 =	vbroadcast v0, $0xD;
	[tilespmem:s9+$0x180] =	vst v60  }
0xb9: {  	v63 =	vbroadcast v0, $0xE;
	[tilespmem:s9+$0x200] =	vst v61  }
0xba: {  	v0 =	vbroadcast v0, $0xF;
	[tilespmem:s9+$0x280] =	vst v62  }
0xbb: {  	[tilespmem:s9+$0x300] =	vst v63  }
0xbc: {  	s10 =	simm.s32 $0x10;
	s24 =	simm.s32 $0x80;
	[tilespmem:s9+$0x380] =	vst v0  }
.LBB2_6:
0xbd: {  	p0 =	sne.s32 s24, $0x1C0;
	v0 =	vld [tilespmem:s10+$0x280];
	_ =	sdelay $0x4  }
0xbe: {  	v0 =	vmul.f32 $1.442695020e+00, v0;
	_ =	sdelay $0x1  }
0xbf: {  	(erf) = vpow2.f32 v0;
	_ =	sdelay $0x8  }
0xc0: {  	v0 =	vpop (erf)  }
0xc1: {  	v1 =	vbroadcast v0, $0x0;
	v2 =	vbroadcast v0, $0x1  }
0xc2: {  	s9 =	sadd.s32 $0x800, s9;
	v3 =	vbroadcast v0, $0x2;
	v4 =	vbroadcast v0, $0x3  }
0xc3: {  	v5 =	vbroadcast v0, $0x5;
	[tilespmem:s9+$0xFFFFFC00] =	vst v1;
	v1 =	vbroadcast v0, $0x4  }
0xc4: {  	v6 =	vbroadcast v0, $0x7;
	[tilespmem:s9+$0xFFFFFC80] =	vst v2;
	v2 =	vbroadcast v0, $0x6  }
0xc5: {  	v7 =	vbroadcast v0, $0x9;
	[tilespmem:s9+$0xFFFFFD00] =	vst v3;
	v3 =	vbroadcast v0, $0x8  }
0xc6: {  	v8 =	vbroadcast v0, $0xB;
	[tilespmem:s9+$0xFFFFFD80] =	vst v4;
	v4 =	vbroadcast v0, $0xA  }
0xc7: {  	v9 =	vbroadcast v0, $0xD;
	[tilespmem:s9+$0xFFFFFE00] =	vst v1;
	v1 =	vbroadcast v0, $0xC  }
0xc8: {  	[tilespmem:s9+$0xFFFFFE80] =	vst v5;
	v5 =	vbroadcast v0, $0xE;
	v0 =	vbroadcast v0, $0xF  }
0xc9: {  	[tilespmem:s9+$0xFFFFFF00] =	vst v2  }
0xca: {  	[tilespmem:s9+$0xFFFFFF80] =	vst v6  }
0xcb: {  	[tilespmem:s9+$0x0] =	vst v3  }
0xcc: {  	[tilespmem:s9+$0x80] =	vst v7  }
0xcd: {  	[tilespmem:s9+$0x100] =	vst v4  }
.Ltmp2:
0xce: {  	[tilespmem:s9+$0x180] =	vst v8;
	(pc) =	sbr.rel @p0 .LBB2_6-.Ltmp2, $4  }
0xcf: {  	[tilespmem:s9+$0x200] =	vst v1  }
0xd0: {  	[tilespmem:s9+$0x280] =	vst v9  }
0xd1: {  	[tilespmem:s9+$0x300] =	vst v5  }
0xd2: {  	s10 =	sshra.s32 s24, $0x2;
	s24 =	sadd.s32 $0x40, s24;
	[tilespmem:s9+$0x380] =	vst v0  }
0xd3: {  	v0 =	vld [tilespmem:s10+$0x280];
	_ =	sdelay $0x4  }
0xd4: {  	v0 =	vmul.f32 $1.442695020e+00, v0;
	_ =	sdelay $0x1  }
0xd5: {  	(erf) = vpow2.f32 v0;
	_ =	sdelay $0x8  }
0xd6: {  	v0 =	vpop (erf)  }
0xd7: {  	v1 =	vbroadcast v0, $0x0  }
0xd8: {  	s9 =	sadd.s32 $0x800, s9;
	v2 =	vbroadcast v0, $0x1  }
0xd9: {  	v3 =	vbroadcast v0, $0x2;
	[tilespmem:s9+$0xFFFFFC00] =	vst v1  }
0xda: {  	v1 =	vbroadcast v0, $0x3;
	[tilespmem:s9+$0xFFFFFC80] =	vst v2  }
0xdb: {  	v2 =	vbroadcast v0, $0x4;
	[tilespmem:s9+$0xFFFFFD00] =	vst v3  }
0xdc: {  	v3 =	vbroadcast v0, $0x5;
	[tilespmem:s9+$0xFFFFFD80] =	vst v1  }
0xdd: {  	v1 =	vbroadcast v0, $0x6;
	[tilespmem:s9+$0xFFFFFE00] =	vst v2  }
0xde: {  	v2 =	vbroadcast v0, $0x7;
	[tilespmem:s9+$0xFFFFFE80] =	vst v3  }
0xdf: {  	v3 =	vbroadcast v0, $0x8;
	[tilespmem:s9+$0xFFFFFF00] =	vst v1  }
0xe0: {  	v1 =	vbroadcast v0, $0x9;
	[tilespmem:s9+$0xFFFFFF80] =	vst v2  }
0xe1: {  	v2 =	vbroadcast v0, $0xA;
	[tilespmem:s9+$0x0] =	vst v3  }
0xe2: {  	v3 =	vbroadcast v0, $0xB;
	[tilespmem:s9+$0x80] =	vst v1  }
0xe3: {  	v1 =	vbroadcast v0, $0xC;
	[tilespmem:s9+$0x100] =	vst v2  }
0xe4: {  	v2 =	vbroadcast v0, $0xD;
	[tilespmem:s9+$0x180] =	vst v3  }
0xe5: {  	v3 =	vbroadcast v0, $0xE;
	[tilespmem:s9+$0x200] =	vst v1  }
0xe6: {  	v0 =	vbroadcast v0, $0xF;
	[tilespmem:s9+$0x280] =	vst v2  }
0xe7: {  	[tilespmem:s9+$0x300] =	vst v3  }
0xe8: {  	[tilespmem:s9+$0x380] =	vst v0  }
0xe9: {  	_ =	swait.ge [sflag:s22], $0x4000  }
0xea: {  	[sflag:s22] =	ssyncset.done $0x0  }
0xeb: {  	[sflag:s22] =	ssyncadd.s32 $0xFFFFC000  }
0xec: {  	_ =	swait.ge [sflag:s25], $0x4000  }
0xed: {  	[sflag:s25] =	ssyncset.done $0x0  }
0xee: {  	s9 =	simm.s32 $0x0;
	[sflag:s25] =	ssyncadd.s32 $0xFFFFC000  }
0xef: {  	s24 =	simm.s32 $0x200;
	v0 =	vld [tilespmem:s9+$0x400]  }
.LBB2_8:
0xf0: {  	p0 =	sne.s32 s24, $0xFE00;
	v1 =	vld [tilespmem:s9+$0x18470]  }
0xf1: {  	v2 =	vld [tilespmem:s9+$0x18400]  }
0xf2: {  	v3 =	vld [tilespmem:s9+$0x18410]  }
0xf3: {  	v4 =	vld [tilespmem:s9+$0x18420]  }
0xf4: {  	v5 =	vld [tilespmem:s9+$0x18430]  }
0xf5: {  	v6 =	vld [tilespmem:s9+$0x18440];
	v1 =	vmul.f32 v1, v0  }
0xf6: {  	v2 =	vmul.f32 v2, v0;
	v7 =	vld [tilespmem:s9+$0x18450]  }
0xf7: {  	v3 =	vmul.f32 v3, v0;
	[tilespmem:s9+$0x8470] =	vst.add.f32.msk $0xffff, v1  }
0xf8: {  	v1 =	vmul.f32 v4, v0;
	v4 =	vld [tilespmem:s9+$0x18460]  }
0xf9: {  	[tilespmem:s9+$0x8400] =	vst.add.f32.msk $0xffff, v2;
	v2 =	vmul.f32 v5, v0  }
0xfa: {  	[tilespmem:s9+$0x8410] =	vst.add.f32.msk $0xffff, v3;
	v3 =	vmul.f32 v6, v0  }
0xfb: {  	[tilespmem:s9+$0x8420] =	vst.add.f32.msk $0xffff, v1;
	v1 =	vmul.f32 v7, v0  }
.Ltmp3:
0xfc: {  	[tilespmem:s9+$0x8430] =	vst.add.f32.msk $0xffff, v2;
	(pc) =	sbr.rel @p0 .LBB2_8-.Ltmp3, $4  }
0xfd: {  	[tilespmem:s9+$0x8440] =	vst.add.f32.msk $0xffff, v3;
	v0 =	vmul.f32 v4, v0  }
0xfe: {  	[tilespmem:s9+$0x8450] =	vst.add.f32.msk $0xffff, v1  }
0xff: {  	[tilespmem:s9+$0x8460] =	vst.add.f32.msk $0xffff, v0;
	s9 =	sshra.s32 s24, $0x2  }
0x100: {  	s24 =	sadd.s32 $0x200, s24;
	v0 =	vld [tilespmem:s9+$0x400]  }
0x101: {  	v1 =	vld [tilespmem:s9+$0x18470]  }
0x102: {  	v2 =	vld [tilespmem:s9+$0x18400]  }
0x103: {  	v3 =	vld [tilespmem:s9+$0x18410]  }
0x104: {  	v4 =	vld [tilespmem:s9+$0x18420]  }
0x105: {  	v5 =	vld [tilespmem:s9+$0x18430]  }
0x106: {  	v6 =	vld [tilespmem:s9+$0x18440]  }
0x107: {  	v7 =	vld [tilespmem:s9+$0x18450];
	v1 =	vmul.f32 v1, v0  }
0x108: {  	v43 =	vld [tilespmem:s9+$0x18460];
	v2 =	vmul.f32 v2, v0  }
0x109: {  	v42 =	vmul.f32 v3, v0;
	[tilespmem:s9+$0x8470] =	vst.add.f32.msk $0xffff, v1  }
0x10a: {  	v4 =	vmul.f32 v4, v0;
	[tilespmem:s9+$0x8400] =	vst.add.f32.msk $0xffff, v2  }
0x10b: {  	v44 =	vmul.f32 v5, v0;
	[tilespmem:s9+$0x8410] =	vst.add.f32.msk $0xffff, v42  }
0x10c: {  	v45 =	vmul.f32 v6, v0;
	[tilespmem:s9+$0x8420] =	vst.add.f32.msk $0xffff, v4  }
0x10d: {  	v46 =	vmul.f32 v7, v0;
	[tilespmem:s9+$0x8430] =	vst.add.f32.msk $0xffff, v44  }
0x10e: {  	v47 =	vmul.f32 v43, v0;
	[tilespmem:s9+$0x8440] =	vst.add.f32.msk $0xffff, v45  }
0x10f: {  	[tilespmem:s9+$0x8450] =	vst.add.f32.msk $0xffff, v46  }
0x110: {  	s24 =	simm.s32 $0x0;
	s10 =	simm.s32 $0x8400;
	[tilespmem:s9+$0x8460] =	vst.add.f32.msk $0xffff, v47  }
0x111: {  	[hbm4b:s11+s24] =	stream.linear.scatter [tilespmem:s10], [sflag:$0xC], $0x4000, $0x38;
	[tilespmem:$0x1C400] =	vst v63  }
0x112: {  	_ = 	snop  }
0x113: {  	[tilespmem:s30], [sflag:$0xA] =	stream.linear.gather [hbm4b:s12+s24], $0x4000, $0x38;
	[tilespmem:$0x1C400] =	vst v63  }
0x114: {  	_ =	swait.ge [sflag:s29], $0x80  }
0x115: {  	[sflag:s29] =	ssyncset.done $0x0  }
0x116: {  	s24 =	simm.s32 $0x0;
	[sflag:s29] =	ssyncadd.s32 $0xFFFFFF80  }
0x117: {  	v48 =	vld [tilespmem:s24+$0x300];
	_ =	sdelay $0x4  }
0x118: {  	v0 =	vmul.f32 $1.442695020e+00, v48;
	_ =	sdelay $0x1  }
0x119: {  	(erf) = vpow2.f32 v0;
	_ =	sdelay $0x8  }
0x11a: {  	v0 =	vpop (erf)  }
0x11b: {  	v49 =	vbroadcast v0, $0x0  }
0x11c: {  	s9 =	simm.s32 $0x800;
	v50 =	vbroadcast v0, $0x1  }
0x11d: {  	v51 =	vbroadcast v0, $0x2;
	[tilespmem:s9+$0xFFFFFC00] =	vst v49  }
0x11e: {  	v52 =	vbroadcast v0, $0x3;
	[tilespmem:s9+$0xFFFFFC80] =	vst v50  }
0x11f: {  	v53 =	vbroadcast v0, $0x4;
	[tilespmem:s9+$0xFFFFFD00] =	vst v51  }
0x120: {  	v54 =	vbroadcast v0, $0x5;
	[tilespmem:s9+$0xFFFFFD80] =	vst v52  }
0x121: {  	v55 =	vbroadcast v0, $0x6;
	[tilespmem:s9+$0xFFFFFE00] =	vst v53  }
0x122: {  	v56 =	vbroadcast v0, $0x7;
	[tilespmem:s9+$0xFFFFFE80] =	vst v54  }
0x123: {  	v57 =	vbroadcast v0, $0x8;
	[tilespmem:s9+$0xFFFFFF00] =	vst v55  }
0x124: {  	v58 =	vbroadcast v0, $0x9;
	[tilespmem:s9+$0xFFFFFF80] =	vst v56  }
0x125: {  	v59 =	vbroadcast v0, $0xA;
	[tilespmem:s9+$0x0] =	vst v57  }
0x126: {  	v60 =	vbroadcast v0, $0xB;
	[tilespmem:s9+$0x80] =	vst v58  }
0x127: {  	v61 =	vbroadcast v0, $0xC;
	[tilespmem:s9+$0x100] =	vst v59  }
0x128: {  	v62 =	vbroadcast v0, $0xD;
	[tilespmem:s9+$0x180] =	vst v60  }
0x129: {  	v63 =	vbroadcast v0, $0xE;
	[tilespmem:s9+$0x200] =	vst v61  }
0x12a: {  	v0 =	vbroadcast v0, $0xF;
	[tilespmem:s9+$0x280] =	vst v62  }
0x12b: {  	[tilespmem:s9+$0x300] =	vst v63  }
0x12c: {  	s10 =	simm.s32 $0x10;
	s24 =	simm.s32 $0x80;
	[tilespmem:s9+$0x380] =	vst v0  }
.LBB2_10:
0x12d: {  	p0 =	sne.s32 s24, $0x1C0;
	v0 =	vld [tilespmem:s10+$0x300];
	_ =	sdelay $0x4  }
0x12e: {  	v0 =	vmul.f32 $1.442695020e+00, v0;
	_ =	sdelay $0x1  }
0x12f: {  	(erf) = vpow2.f32 v0;
	_ =	sdelay $0x8  }
0x130: {  	v0 =	vpop (erf)  }
0x131: {  	v1 =	vbroadcast v0, $0x0;
	v2 =	vbroadcast v0, $0x1  }
0x132: {  	s9 =	sadd.s32 $0x800, s9;
	v3 =	vbroadcast v0, $0x2;
	v4 =	vbroadcast v0, $0x3  }
0x133: {  	v5 =	vbroadcast v0, $0x5;
	[tilespmem:s9+$0xFFFFFC00] =	vst v1;
	v1 =	vbroadcast v0, $0x4  }
0x134: {  	v6 =	vbroadcast v0, $0x7;
	[tilespmem:s9+$0xFFFFFC80] =	vst v2;
	v2 =	vbroadcast v0, $0x6  }
0x135: {  	v7 =	vbroadcast v0, $0x9;
	[tilespmem:s9+$0xFFFFFD00] =	vst v3;
	v3 =	vbroadcast v0, $0x8  }
0x136: {  	v8 =	vbroadcast v0, $0xB;
	[tilespmem:s9+$0xFFFFFD80] =	vst v4;
	v4 =	vbroadcast v0, $0xA  }
0x137: {  	v9 =	vbroadcast v0, $0xD;
	[tilespmem:s9+$0xFFFFFE00] =	vst v1;
	v1 =	vbroadcast v0, $0xC  }
0x138: {  	[tilespmem:s9+$0xFFFFFE80] =	vst v5;
	v5 =	vbroadcast v0, $0xE;
	v0 =	vbroadcast v0, $0xF  }
0x139: {  	[tilespmem:s9+$0xFFFFFF00] =	vst v2  }
0x13a: {  	[tilespmem:s9+$0xFFFFFF80] =	vst v6  }
0x13b: {  	[tilespmem:s9+$0x0] =	vst v3  }
0x13c: {  	[tilespmem:s9+$0x80] =	vst v7  }
0x13d: {  	[tilespmem:s9+$0x100] =	vst v4  }
.Ltmp4:
0x13e: {  	[tilespmem:s9+$0x180] =	vst v8;
	(pc) =	sbr.rel @p0 .LBB2_10-.Ltmp4, $4  }
0x13f: {  	[tilespmem:s9+$0x200] =	vst v1  }
0x140: {  	[tilespmem:s9+$0x280] =	vst v9  }
0x141: {  	[tilespmem:s9+$0x300] =	vst v5  }
0x142: {  	s10 =	sshra.s32 s24, $0x2;
	s24 =	sadd.s32 $0x40, s24;
	[tilespmem:s9+$0x380] =	vst v0  }
0x143: {  	v0 =	vld [tilespmem:s10+$0x300];
	_ =	sdelay $0x4  }
0x144: {  	v0 =	vmul.f32 $1.442695020e+00, v0;
	_ =	sdelay $0x1  }
0x145: {  	(erf) = vpow2.f32 v0;
	_ =	sdelay $0x8  }
0x146: {  	v0 =	vpop (erf)  }
0x147: {  	v1 =	vbroadcast v0, $0x0  }
0x148: {  	s9 =	sadd.s32 $0x800, s9;
	v2 =	vbroadcast v0, $0x1  }
0x149: {  	v3 =	vbroadcast v0, $0x2;
	[tilespmem:s9+$0xFFFFFC00] =	vst v1  }
0x14a: {  	v1 =	vbroadcast v0, $0x3;
	[tilespmem:s9+$0xFFFFFC80] =	vst v2  }
0x14b: {  	v2 =	vbroadcast v0, $0x4;
	[tilespmem:s9+$0xFFFFFD00] =	vst v3  }
0x14c: {  	v3 =	vbroadcast v0, $0x5;
	[tilespmem:s9+$0xFFFFFD80] =	vst v1  }
0x14d: {  	v1 =	vbroadcast v0, $0x6;
	[tilespmem:s9+$0xFFFFFE00] =	vst v2  }
0x14e: {  	v2 =	vbroadcast v0, $0x7;
	[tilespmem:s9+$0xFFFFFE80] =	vst v3  }
0x14f: {  	v3 =	vbroadcast v0, $0x8;
	[tilespmem:s9+$0xFFFFFF00] =	vst v1  }
0x150: {  	v1 =	vbroadcast v0, $0x9;
	[tilespmem:s9+$0xFFFFFF80] =	vst v2  }
0x151: {  	v2 =	vbroadcast v0, $0xA;
	[tilespmem:s9+$0x0] =	vst v3  }
0x152: {  	v3 =	vbroadcast v0, $0xB;
	[tilespmem:s9+$0x80] =	vst v1  }
0x153: {  	v1 =	vbroadcast v0, $0xC;
	[tilespmem:s9+$0x100] =	vst v2  }
0x154: {  	v2 =	vbroadcast v0, $0xD;
	[tilespmem:s9+$0x180] =	vst v3  }
0x155: {  	v3 =	vbroadcast v0, $0xE;
	[tilespmem:s9+$0x200] =	vst v1  }
0x156: {  	v0 =	vbroadcast v0, $0xF;
	[tilespmem:s9+$0x280] =	vst v2  }
0x157: {  	[tilespmem:s9+$0x300] =	vst v3  }
0x158: {  	[tilespmem:s9+$0x380] =	vst v0  }
0x159: {  	_ =	swait.ge [sflag:s5], $0x4000  }
0x15a: {  	[sflag:s5] =	ssyncset.done $0x0  }
0x15b: {  	[sflag:s5] =	ssyncadd.s32 $0xFFFFC000  }
0x15c: {  	_ =	swait.ge [sflag:s3], $0x4000  }
0x15d: {  	[sflag:s3] =	ssyncset.done $0x0  }
0x15e: {  	s9 =	simm.s32 $0x0;
	[sflag:s3] =	ssyncadd.s32 $0xFFFFC000  }
0x15f: {  	s24 =	simm.s32 $0x200;
	v0 =	vld [tilespmem:s9+$0x400]  }
.LBB2_12:
0x160: {  	p0 =	sne.s32 s24, $0xFE00;
	v1 =	vld [tilespmem:s9+$0x14470]  }
0x161: {  	v2 =	vld [tilespmem:s9+$0x14400]  }
0x162: {  	v3 =	vld [tilespmem:s9+$0x14410]  }
0x163: {  	v4 =	vld [tilespmem:s9+$0x14420]  }
0x164: {  	v5 =	vld [tilespmem:s9+$0x14430]  }
0x165: {  	v6 =	vld [tilespmem:s9+$0x14440];
	v1 =	vmul.f32 v1, v0  }
0x166: {  	v2 =	vmul.f32 v2, v0;
	v7 =	vld [tilespmem:s9+$0x14450]  }
0x167: {  	v3 =	vmul.f32 v3, v0;
	[tilespmem:s9+$0xC470] =	vst.add.f32.msk $0xffff, v1  }
0x168: {  	v1 =	vmul.f32 v4, v0;
	v4 =	vld [tilespmem:s9+$0x14460]  }
0x169: {  	[tilespmem:s9+$0xC400] =	vst.add.f32.msk $0xffff, v2;
	v2 =	vmul.f32 v5, v0  }
0x16a: {  	[tilespmem:s9+$0xC410] =	vst.add.f32.msk $0xffff, v3;
	v3 =	vmul.f32 v6, v0  }
0x16b: {  	[tilespmem:s9+$0xC420] =	vst.add.f32.msk $0xffff, v1;
	v1 =	vmul.f32 v7, v0  }
.Ltmp5:
0x16c: {  	[tilespmem:s9+$0xC430] =	vst.add.f32.msk $0xffff, v2;
	(pc) =	sbr.rel @p0 .LBB2_12-.Ltmp5, $4  }
0x16d: {  	[tilespmem:s9+$0xC440] =	vst.add.f32.msk $0xffff, v3;
	v0 =	vmul.f32 v4, v0  }
0x16e: {  	[tilespmem:s9+$0xC450] =	vst.add.f32.msk $0xffff, v1  }
0x16f: {  	[tilespmem:s9+$0xC460] =	vst.add.f32.msk $0xffff, v0;
	s9 =	sshra.s32 s24, $0x2  }
0x170: {  	s24 =	sadd.s32 $0x200, s24;
	v0 =	vld [tilespmem:s9+$0x400]  }
0x171: {  	v1 =	vld [tilespmem:s9+$0x14470]  }
0x172: {  	v2 =	vld [tilespmem:s9+$0x14400]  }
0x173: {  	v3 =	vld [tilespmem:s9+$0x14410]  }
0x174: {  	v4 =	vld [tilespmem:s9+$0x14420]  }
0x175: {  	v5 =	vld [tilespmem:s9+$0x14430]  }
0x176: {  	v6 =	vld [tilespmem:s9+$0x14440]  }
0x177: {  	v7 =	vld [tilespmem:s9+$0x14450];
	v1 =	vmul.f32 v1, v0  }
0x178: {  	v43 =	vld [tilespmem:s9+$0x14460];
	v2 =	vmul.f32 v2, v0  }
0x179: {  	v42 =	vmul.f32 v3, v0;
	[tilespmem:s9+$0xC470] =	vst.add.f32.msk $0xffff, v1  }
0x17a: {  	v4 =	vmul.f32 v4, v0;
	[tilespmem:s9+$0xC400] =	vst.add.f32.msk $0xffff, v2  }
0x17b: {  	v44 =	vmul.f32 v5, v0;
	[tilespmem:s9+$0xC410] =	vst.add.f32.msk $0xffff, v42  }
0x17c: {  	v45 =	vmul.f32 v6, v0;
	[tilespmem:s9+$0xC420] =	vst.add.f32.msk $0xffff, v4  }
0x17d: {  	v46 =	vmul.f32 v7, v0;
	[tilespmem:s9+$0xC430] =	vst.add.f32.msk $0xffff, v44  }
0x17e: {  	v47 =	vmul.f32 v43, v0;
	[tilespmem:s9+$0xC440] =	vst.add.f32.msk $0xffff, v45  }
0x17f: {  	[tilespmem:s9+$0xC450] =	vst.add.f32.msk $0xffff, v46  }
0x180: {  	s24 =	simm.s32 $0x0;
	s10 =	simm.s32 $0xC400;
	[tilespmem:s9+$0xC460] =	vst.add.f32.msk $0xffff, v47  }
0x181: {  	[hbm4b:s13+s24] =	stream.linear.scatter [tilespmem:s10], [sflag:$0xD], $0x4000, $0x38;
	[tilespmem:$0x1C400] =	vst v63  }
0x182: {  	_ =	swait.ge [sflag:s18], $0x80  }
0x183: {  	[sflag:s18] =	ssyncset.done $0x0  }
0x184: {  	s24 =	simm.s32 $0x0;
	[sflag:s18] =	ssyncadd.s32 $0xFFFFFF80  }
0x185: {  	v48 =	vld [tilespmem:s24+$0x380];
	_ =	sdelay $0x4  }
0x186: {  	v0 =	vmul.f32 $1.442695020e+00, v48;
	_ =	sdelay $0x1  }
0x187: {  	(erf) = vpow2.f32 v0;
	_ =	sdelay $0x8  }
0x188: {  	v0 =	vpop (erf)  }
0x189: {  	v49 =	vbroadcast v0, $0x0  }
0x18a: {  	s9 =	simm.s32 $0x800;
	v50 =	vbroadcast v0, $0x1  }
0x18b: {  	v51 =	vbroadcast v0, $0x2;
	[tilespmem:s9+$0xFFFFFC00] =	vst v49  }
0x18c: {  	v52 =	vbroadcast v0, $0x3;
	[tilespmem:s9+$0xFFFFFC80] =	vst v50  }
0x18d: {  	v53 =	vbroadcast v0, $0x4;
	[tilespmem:s9+$0xFFFFFD00] =	vst v51  }
0x18e: {  	v54 =	vbroadcast v0, $0x5;
	[tilespmem:s9+$0xFFFFFD80] =	vst v52  }
0x18f: {  	v55 =	vbroadcast v0, $0x6;
	[tilespmem:s9+$0xFFFFFE00] =	vst v53  }
0x190: {  	v56 =	vbroadcast v0, $0x7;
	[tilespmem:s9+$0xFFFFFE80] =	vst v54  }
0x191: {  	v57 =	vbroadcast v0, $0x8;
	[tilespmem:s9+$0xFFFFFF00] =	vst v55  }
0x192: {  	v58 =	vbroadcast v0, $0x9;
	[tilespmem:s9+$0xFFFFFF80] =	vst v56  }
0x193: {  	v59 =	vbroadcast v0, $0xA;
	[tilespmem:s9+$0x0] =	vst v57  }
0x194: {  	v60 =	vbroadcast v0, $0xB;
	[tilespmem:s9+$0x80] =	vst v58  }
0x195: {  	v61 =	vbroadcast v0, $0xC;
	[tilespmem:s9+$0x100] =	vst v59  }
0x196: {  	v62 =	vbroadcast v0, $0xD;
	[tilespmem:s9+$0x180] =	vst v60  }
0x197: {  	v63 =	vbroadcast v0, $0xE;
	[tilespmem:s9+$0x200] =	vst v61  }
0x198: {  	v0 =	vbroadcast v0, $0xF;
	[tilespmem:s9+$0x280] =	vst v62  }
0x199: {  	[tilespmem:s9+$0x300] =	vst v63  }
0x19a: {  	s10 =	simm.s32 $0x10;
	s24 =	simm.s32 $0x80;
	[tilespmem:s9+$0x380] =	vst v0  }
.LBB2_14:
0x19b: {  	p0 =	sne.s32 s24, $0x1C0;
	v0 =	vld [tilespmem:s10+$0x380];
	_ =	sdelay $0x4  }
0x19c: {  	v0 =	vmul.f32 $1.442695020e+00, v0;
	_ =	sdelay $0x1  }
0x19d: {  	(erf) = vpow2.f32 v0;
	_ =	sdelay $0x8  }
0x19e: {  	v0 =	vpop (erf)  }
0x19f: {  	v1 =	vbroadcast v0, $0x0;
	v2 =	vbroadcast v0, $0x1  }
0x1a0: {  	s9 =	sadd.s32 $0x800, s9;
	v3 =	vbroadcast v0, $0x2;
	v4 =	vbroadcast v0, $0x3  }
0x1a1: {  	v5 =	vbroadcast v0, $0x5;
	[tilespmem:s9+$0xFFFFFC00] =	vst v1;
	v1 =	vbroadcast v0, $0x4  }
0x1a2: {  	v6 =	vbroadcast v0, $0x7;
	[tilespmem:s9+$0xFFFFFC80] =	vst v2;
	v2 =	vbroadcast v0, $0x6  }
0x1a3: {  	v7 =	vbroadcast v0, $0x9;
	[tilespmem:s9+$0xFFFFFD00] =	vst v3;
	v3 =	vbroadcast v0, $0x8  }
0x1a4: {  	v8 =	vbroadcast v0, $0xB;
	[tilespmem:s9+$0xFFFFFD80] =	vst v4;
	v4 =	vbroadcast v0, $0xA  }
0x1a5: {  	v9 =	vbroadcast v0, $0xD;
	[tilespmem:s9+$0xFFFFFE00] =	vst v1;
	v1 =	vbroadcast v0, $0xC  }
0x1a6: {  	[tilespmem:s9+$0xFFFFFE80] =	vst v5;
	v5 =	vbroadcast v0, $0xE;
	v0 =	vbroadcast v0, $0xF  }
0x1a7: {  	[tilespmem:s9+$0xFFFFFF00] =	vst v2  }
0x1a8: {  	[tilespmem:s9+$0xFFFFFF80] =	vst v6  }
0x1a9: {  	[tilespmem:s9+$0x0] =	vst v3  }
0x1aa: {  	[tilespmem:s9+$0x80] =	vst v7  }
0x1ab: {  	[tilespmem:s9+$0x100] =	vst v4  }
.Ltmp6:
0x1ac: {  	[tilespmem:s9+$0x180] =	vst v8;
	(pc) =	sbr.rel @p0 .LBB2_14-.Ltmp6, $4  }
0x1ad: {  	[tilespmem:s9+$0x200] =	vst v1  }
0x1ae: {  	[tilespmem:s9+$0x280] =	vst v9  }
0x1af: {  	[tilespmem:s9+$0x300] =	vst v5  }
0x1b0: {  	s10 =	sshra.s32 s24, $0x2;
	s24 =	sadd.s32 $0x40, s24;
	[tilespmem:s9+$0x380] =	vst v0  }
0x1b1: {  	v0 =	vld [tilespmem:s10+$0x380];
	_ =	sdelay $0x4  }
0x1b2: {  	v0 =	vmul.f32 $1.442695020e+00, v0;
	_ =	sdelay $0x1  }
0x1b3: {  	(erf) = vpow2.f32 v0;
	_ =	sdelay $0x8  }
0x1b4: {  	v0 =	vpop (erf)  }
0x1b5: {  	v1 =	vbroadcast v0, $0x0  }
0x1b6: {  	s9 =	sadd.s32 $0x800, s9;
	v2 =	vbroadcast v0, $0x1  }
0x1b7: {  	v3 =	vbroadcast v0, $0x2;
	[tilespmem:s9+$0xFFFFFC00] =	vst v1  }
0x1b8: {  	v1 =	vbroadcast v0, $0x3;
	[tilespmem:s9+$0xFFFFFC80] =	vst v2  }
0x1b9: {  	v2 =	vbroadcast v0, $0x4;
	[tilespmem:s9+$0xFFFFFD00] =	vst v3  }
0x1ba: {  	v3 =	vbroadcast v0, $0x5;
	[tilespmem:s9+$0xFFFFFD80] =	vst v1  }
0x1bb: {  	v1 =	vbroadcast v0, $0x6;
	[tilespmem:s9+$0xFFFFFE00] =	vst v2  }
0x1bc: {  	v2 =	vbroadcast v0, $0x7;
	[tilespmem:s9+$0xFFFFFE80] =	vst v3  }
0x1bd: {  	v3 =	vbroadcast v0, $0x8;
	[tilespmem:s9+$0xFFFFFF00] =	vst v1  }
0x1be: {  	v1 =	vbroadcast v0, $0x9;
	[tilespmem:s9+$0xFFFFFF80] =	vst v2  }
0x1bf: {  	v2 =	vbroadcast v0, $0xA;
	[tilespmem:s9+$0x0] =	vst v3  }
0x1c0: {  	v3 =	vbroadcast v0, $0xB;
	[tilespmem:s9+$0x80] =	vst v1  }
0x1c1: {  	v1 =	vbroadcast v0, $0xC;
	[tilespmem:s9+$0x100] =	vst v2  }
0x1c2: {  	v2 =	vbroadcast v0, $0xD;
	[tilespmem:s9+$0x180] =	vst v3  }
0x1c3: {  	v3 =	vbroadcast v0, $0xE;
	[tilespmem:s9+$0x200] =	vst v1  }
0x1c4: {  	v0 =	vbroadcast v0, $0xF;
	[tilespmem:s9+$0x280] =	vst v2  }
0x1c5: {  	[tilespmem:s9+$0x300] =	vst v3  }
0x1c6: {  	[tilespmem:s9+$0x380] =	vst v0  }
0x1c7: {  	_ =	swait.ge [sflag:s6], $0x4000  }
0x1c8: {  	[sflag:s6] =	ssyncset.done $0x0  }
0x1c9: {  	[sflag:s6] =	ssyncadd.s32 $0xFFFFC000  }
0x1ca: {  	_ =	swait.ge [sflag:s25], $0x4000  }
0x1cb: {  	[sflag:s25] =	ssyncset.done $0x0  }
0x1cc: {  	s9 =	simm.s32 $0x0;
	[sflag:s25] =	ssyncadd.s32 $0xFFFFC000  }
0x1cd: {  	s24 =	simm.s32 $0x200;
	v0 =	vld [tilespmem:s9+$0x400]  }
.LBB2_16:
0x1ce: {  	p0 =	sne.s32 s24, $0xFE00;
	v1 =	vld [tilespmem:s9+$0x18470]  }
0x1cf: {  	v2 =	vld [tilespmem:s9+$0x18400]  }
0x1d0: {  	v3 =	vld [tilespmem:s9+$0x18410]  }
0x1d1: {  	v4 =	vld [tilespmem:s9+$0x18420]  }
0x1d2: {  	v5 =	vld [tilespmem:s9+$0x18430]  }
0x1d3: {  	v6 =	vld [tilespmem:s9+$0x18440];
	v1 =	vmul.f32 v1, v0  }
0x1d4: {  	v2 =	vmul.f32 v2, v0;
	v7 =	vld [tilespmem:s9+$0x18450]  }
0x1d5: {  	v3 =	vmul.f32 v3, v0;
	[tilespmem:s9+$0x10470] =	vst.add.f32.msk $0xffff, v1  }
0x1d6: {  	v1 =	vmul.f32 v4, v0;
	v4 =	vld [tilespmem:s9+$0x18460]  }
0x1d7: {  	[tilespmem:s9+$0x10400] =	vst.add.f32.msk $0xffff, v2;
	v2 =	vmul.f32 v5, v0  }
0x1d8: {  	[tilespmem:s9+$0x10410] =	vst.add.f32.msk $0xffff, v3;
	v3 =	vmul.f32 v6, v0  }
0x1d9: {  	[tilespmem:s9+$0x10420] =	vst.add.f32.msk $0xffff, v1;
	v1 =	vmul.f32 v7, v0  }
.Ltmp7:
0x1da: {  	[tilespmem:s9+$0x10430] =	vst.add.f32.msk $0xffff, v2;
	(pc) =	sbr.rel @p0 .LBB2_16-.Ltmp7, $4  }
0x1db: {  	[tilespmem:s9+$0x10440] =	vst.add.f32.msk $0xffff, v3;
	v0 =	vmul.f32 v4, v0  }
0x1dc: {  	[tilespmem:s9+$0x10450] =	vst.add.f32.msk $0xffff, v1  }
0x1dd: {  	[tilespmem:s9+$0x10460] =	vst.add.f32.msk $0xffff, v0;
	s9 =	sshra.s32 s24, $0x2  }
0x1de: {  	s24 =	sadd.s32 $0x200, s24;
	v0 =	vld [tilespmem:s9+$0x400]  }
0x1df: {  	v1 =	vld [tilespmem:s9+$0x18470]  }
0x1e0: {  	v2 =	vld [tilespmem:s9+$0x18400]  }
0x1e1: {  	v3 =	vld [tilespmem:s9+$0x18410]  }
0x1e2: {  	v4 =	vld [tilespmem:s9+$0x18420]  }
0x1e3: {  	v5 =	vld [tilespmem:s9+$0x18430]  }
0x1e4: {  	v6 =	vld [tilespmem:s9+$0x18440]  }
0x1e5: {  	v7 =	vld [tilespmem:s9+$0x18450];
	v1 =	vmul.f32 v1, v0  }
0x1e6: {  	v59 =	vld [tilespmem:s9+$0x18460];
	v2 =	vmul.f32 v2, v0  }
0x1e7: {  	v58 =	vmul.f32 v3, v0;
	[tilespmem:s9+$0x10470] =	vst.add.f32.msk $0xffff, v1  }
0x1e8: {  	v4 =	vmul.f32 v4, v0;
	[tilespmem:s9+$0x10400] =	vst.add.f32.msk $0xffff, v2  }
0x1e9: {  	v60 =	vmul.f32 v5, v0;
	[tilespmem:s9+$0x10410] =	vst.add.f32.msk $0xffff, v58  }
0x1ea: {  	v61 =	vmul.f32 v6, v0;
	[tilespmem:s9+$0x10420] =	vst.add.f32.msk $0xffff, v4  }
0x1eb: {  	v62 =	vmul.f32 v7, v0;
	[tilespmem:s9+$0x10430] =	vst.add.f32.msk $0xffff, v60  }
0x1ec: {  	v63 =	vmul.f32 v59, v0;
	[tilespmem:s9+$0x10440] =	vst.add.f32.msk $0xffff, v61  }
0x1ed: {  	[tilespmem:s9+$0x10450] =	vst.add.f32.msk $0xffff, v62  }
0x1ee: {  	[tilespmem:s9+$0x10460] =	vst.add.f32.msk $0xffff, v63  }
0x1ef: {  	[hbm4b:s14+s4] =	stream.linear.scatter [tilespmem:s28], [sflag:$0xE], $0x4000, $0x38;
	[tilespmem:$0x1C400] =	vst v63  }
0x1f0: {  	_ =	swait.ge [sflag:s20], $0x4000  }
0x1f1: {  	[sflag:s20] =	ssyncset.done $0x0  }
0x1f2: {  	[sflag:s20] =	ssyncadd.s32 $0xFFFFC000  }
0x1f3: {  	_ =	swait.ge [sflag:s7], $0x4000  }
0x1f4: {  	[sflag:s7] =	ssyncset.done $0x0  }
0x1f5: {  	s23 =	sadd.s32 $0x1, s23;
	[sflag:s7] =	ssyncadd.s32 $0xFFFFC000  }
0x1f6: {  	p0 =	sne.s32 s23, s15;
	_ =	swait.ge [sflag:s21], $0x4000  }
.Ltmp8:
0x1f7: {  	[sflag:s21] =	ssyncset.done $0x0;
	(pc) =	sbr.rel @p0 .LBB2_1-.Ltmp8, $4  }
0x1f8: {  	[sflag:s21] =	ssyncadd.s32 $0xFFFFC000  }
0x1f9: {  	_ =	swait.ge [sflag:s8], $0x4000  }
0x1fa: {  	[sflag:s8] =	ssyncset.done $0x0  }
0x1fb: {  	[sflag:s8] =	ssyncadd.s32 $0xFFFFC000  }
0x1fc: {  	_ =	sfence.sel $0x180000  }
0x1fd: {  	[bflag:$0x0] =	sbarrier.arrive $0xFFFF  }
0x1fe: {  	_ =	strace $0x90000047  }
0x1ff: {  	s0 =	stileid.u32;
	[bflag:$0x2] =	sbarrier.arrive $0xFFFF  }
0x200: {  	p0 =	sne.s32 s0, $0x0;
	s0 =	rddreg [dreg:$0x5]  }
0x201: {  	s0 =	sadd.s32 @!p0 $0x100000, s0  }
0x202: {  	[sflag:s0] =	ssyncadd.tile.s32 @!p0 $0x1;
	_ =	shalt  }
.Lfunc_end2:
_tile_overlayer_lowered:
.L_overlay_start_2:
0x203: {  	(tag) =	ssettag $0x2  }
0x204: {  	s0 =	rddreg [dreg:$0x0];
	s2 =	stileid.u32  }
0x205: {  	s1 =	rddreg [dreg:$0x1];
	p0 =	sne.s32 s2, $0x0  }
0x206: {  	s3 =	rddreg [dreg:$0x2];
	[bflag:$0x3] =	sbarrier.arrive $0xFFFF;
	s2 =	simm.s32 @!p0 $0x1C0F  }
0x207: {  	[timem:s3], [sflag:s2] =	dma.local @!p0 [hbm:s0], s1  }
0x208: {  	s0 =	simm.s32 @!p0 $0xF  }
0x209: {  	_ =	swait.ge @!p0 [sflag:s0], s1  }
0x20a: {  	s1 =	ssub.s32 @!p0 $0x0, s1;
	[sflag:s0] =	ssyncset.done @!p0 $0x0  }
0x20b: {  	[sflag:s0] =	ssyncadd.s32 @!p0 s1  }
0x20c: {  	[bflag:$0x3] =	sbarrier.arrive $0xFFFF  }
0x20d: {  	_ =	shalt  }

</sc_bundles>
